<compile_context>
chip_gen: v7x
topology: tpu7x:2x2x1
jax: 0.10.2.dev20260603
libtpu: 0.0.44.dev20260713+nightly
codegen_flags: <defaults>
</compile_context>

<pallas_src>
import functools

import jax
import jax.numpy as jnp
from jax import lax
from jax.experimental import pallas as pl
from jax.experimental.pallas import tpu as pltpu
from jax.experimental.pallas import tpu_sc as plsc

NC, NS = 2, 16
NW = NC * NS
KI = 128
L = 16


def _gather_kernel(V, E, D):
    nchunk = E // KI
    trips = -(-nchunk // NW)
    assert trips % 2 == 0
    mesh = plsc.VectorSubcoreMesh(core_axis_name="c", subcore_axis_name="s",
                                  num_cores=NC, num_subcores=NS)

    @functools.partial(
        pl.kernel, mesh=mesh,
        out_type=(jax.ShapeDtypeStruct((E, D), jnp.float32),
                  jax.ShapeDtypeStruct((E, D), jnp.float32)),
        scratch_types=[
            [pltpu.VMEM((KI,), jnp.int32) for _ in range(2)],
            [pltpu.VMEM((KI,), jnp.int32) for _ in range(2)],
            [pltpu.VMEM((KI, D), jnp.float32) for _ in range(2)],
            [pltpu.VMEM((KI, D), jnp.float32) for _ in range(2)],
            [pltpu.SemaphoreType.DMA for _ in range(2)],
            [pltpu.SemaphoreType.DMA for _ in range(2)],
        ],
    )
    def k(g0_hbm, g1_hbm, v_hbm, xs_hbm, xt_hbm, idx0, idx1, rows0, rows1,
          gsem, osem):
        w = lax.axis_index("c") * NS + lax.axis_index("s")

        def start(j, p):
            cid = j * NW + w

            @pl.when(cid < nchunk)
            def _():
                pltpu.sync_copy(g0_hbm.at[pl.ds(cid * KI, KI)], idx0[p])
                pltpu.sync_copy(g1_hbm.at[pl.ds(cid * KI, KI)], idx1[p])
                pltpu.async_copy(v_hbm.at[idx0[p]], rows0[p], gsem[p])
                pltpu.async_copy(v_hbm.at[idx1[p]], rows1[p], gsem[p])

        start(0, 0)
        start(1, 1)

        def body(i, carry):
            for p in (0, 1):
                j = 2 * i + p
                cid = j * NW + w

                @pl.when(cid < nchunk)
                def _():
                    base = cid * KI
                    pltpu.make_async_copy(v_hbm.at[idx0[p]], rows0[p],
                                          gsem[p]).wait()
                    pltpu.make_async_copy(v_hbm.at[idx1[p]], rows1[p],
                                          gsem[p]).wait()
                    pltpu.async_copy(rows0[p], xs_hbm.at[pl.ds(base, KI)],
                                     osem[p])
                    pltpu.async_copy(rows1[p], xt_hbm.at[pl.ds(base, KI)],
                                     osem[p])

                cid2 = (j + 2) * NW + w

                @pl.when(cid2 < nchunk)
                def _():
                    pltpu.sync_copy(g0_hbm.at[pl.ds(cid2 * KI, KI)], idx0[p])
                    pltpu.sync_copy(g1_hbm.at[pl.ds(cid2 * KI, KI)], idx1[p])

                @pl.when(cid < nchunk)
                def _():
                    base = cid * KI
                    pltpu.make_async_copy(rows0[p],
                                          xs_hbm.at[pl.ds(base, KI)],
                                          osem[p]).wait()
                    pltpu.make_async_copy(rows1[p],
                                          xt_hbm.at[pl.ds(base, KI)],
                                          osem[p]).wait()

                @pl.when(cid2 < nchunk)
                def _():
                    pltpu.async_copy(v_hbm.at[idx0[p]], rows0[p], gsem[p])
                    pltpu.async_copy(v_hbm.at[idx1[p]], rows1[p], gsem[p])

            return carry

        lax.fori_loop(0, trips // 2, body, 0)

    return k


def _scatter_kernel(V, E, D):
    nchunk = E // KI
    trips = -(-nchunk // NW)
    assert trips % 2 == 0
    rps = (V // NS) // 8 * 8
    rem = V - NS * rps
    mesh = plsc.VectorSubcoreMesh(core_axis_name="c", subcore_axis_name="s",
                                  num_cores=NC, num_subcores=NS)

    @functools.partial(
        pl.kernel, mesh=mesh,
        out_type=jax.ShapeDtypeStruct((NC, V, D), jnp.float32),
        scratch_types=[
            [pltpu.VMEM((KI,), jnp.int32) for _ in range(2)],
            [pltpu.VMEM((KI, D), jnp.float32) for _ in range(2)],
            [pltpu.SemaphoreType.DMA for _ in range(2)],
            [pltpu.SemaphoreType.DMA for _ in range(2)],
            pltpu.VMEM_SHARED((V, D), jnp.float32),
        ],
    )
    def k(g1_hbm, y_hbm, z_hbm, part_hbm, idx, rows, lsem, asem, accum):
        c = lax.axis_index("c")
        s = lax.axis_index("s")
        w = c * NS + s
        pltpu.sync_copy(z_hbm.at[pl.ds(0, rps)], accum.at[pl.ds(s * rps, rps)])
        if rem:
            @pl.when(s == 0)
            def _():
                pltpu.sync_copy(z_hbm.at[pl.ds(0, rem)],
                                accum.at[pl.ds(NS * rps, rem)])
        plsc.subcore_barrier()

        def load(j, p):
            cid = j * NW + w

            @pl.when(cid < nchunk)
            def _():
                pltpu.sync_copy(g1_hbm.at[pl.ds(cid * KI, KI)], idx[p])
                pltpu.async_copy(y_hbm.at[pl.ds(cid * KI, KI)], rows[p],
                                 lsem[p])

        load(0, 0)
        load(1, 1)

        def body(i, carry):
            for p in (0, 1):
                j = 2 * i + p
                cid = j * NW + w

                @pl.when(cid < nchunk)
                def _():
                    pltpu.make_async_copy(y_hbm.at[pl.ds(cid * KI, KI)],
                                          rows[p], lsem[p]).wait()
                    pltpu.async_copy(rows[p], accum.at[idx[p]], asem[p],
                                     add=True)
                    pltpu.make_async_copy(rows[p], accum.at[idx[p]],
                                          asem[p]).wait()

                load(j + 2, p)
            return carry

        lax.fori_loop(0, trips // 2, body, 0)
        plsc.subcore_barrier()
        pltpu.sync_copy(accum.at[pl.ds(s * rps, rps)],
                        part_hbm.at[c, pl.ds(s * rps, rps)])
        if rem:
            @pl.when(s == 0)
            def _():
                pltpu.sync_copy(accum.at[pl.ds(NS * rps, rem)],
                                part_hbm.at[c, pl.ds(NS * rps, rem)])

    return k


def _mlp_body(xs_ref, xt_ref, e_ref, wn1s, wn1t, wn1e, bn1, wn2, bn2,
              we1s, we1t, we1e, be1, we2, be2, y_ref, ue_ref):
    xs = xs_ref[...]
    xt = xt_ref[...]
    ee = e_ref[...]
    hn = jnp.maximum(
        xs @ wn1s[...] + xt @ wn1t[...] + ee @ wn1e[...] + bn1[...], 0.0)
    y_ref[...] = hn @ wn2[...] + bn2[...]
    he = jnp.maximum(
        xs @ we1s[...] + xt @ we1t[...] + ee @ we1e[...] + be1[...], 0.0)
    ue_ref[...] = jnp.maximum(he @ we2[...] + be2[...], 0.0)


def _fin_body(inv_deg, p_ref, o_ref):
    o_ref[...] = jnp.maximum((p_ref[0] + p_ref[1]) * inv_deg, 0.0)


def kernel(v, e, G, A, Wn1, bn1, Wn2, bn2, We1, be1, We2, be2):
    N, V, D = v.shape
    E = e.shape[1]
    ED = e.shape[2]
    OD = Wn2.shape[1]

    v2 = v.reshape(V, D)
    e2 = e.reshape(E, ED)
    g0 = G[:, 0]
    g1 = G[:, 1]

    xs, xt = _gather_kernel(V, E, D)(g0, g1, v2)

    BE = 2000
    grid = (E // BE,)
    full = lambda shape: pl.BlockSpec(shape, lambda i: (0,) * len(shape))
    wspecs = [
        full((D, OD)), full((D, OD)), full((ED, OD)), full((1, OD)),
        full((OD, OD)), full((1, OD)),
        full((D, OD)), full((D, OD)), full((ED, OD)), full((1, OD)),
        full((OD, OD)), full((1, OD)),
    ]
    y, ue = pl.pallas_call(
        _mlp_body,
        grid=grid,
        in_specs=[
            pl.BlockSpec((BE, D), lambda i: (i, 0)),
            pl.BlockSpec((BE, D), lambda i: (i, 0)),
            pl.BlockSpec((BE, ED), lambda i: (i, 0)),
        ] + wspecs,
        out_specs=[
            pl.BlockSpec((BE, OD), lambda i: (i, 0)),
            pl.BlockSpec((BE, OD), lambda i: (i, 0)),
        ],
        out_shape=(jax.ShapeDtypeStruct((E, OD), jnp.float32),
                   jax.ShapeDtypeStruct((E, OD), jnp.float32)),
    )(xs, xt, e2,
      Wn1[0:D], Wn1[D:2 * D], Wn1[2 * D:], bn1.reshape(1, OD),
      Wn2, bn2.reshape(1, OD),
      We1[0:D], We1[D:2 * D], We1[2 * D:], be1.reshape(1, OD),
      We2, be2.reshape(1, OD))

    zeros = jnp.zeros(((V // NS) // 8 * 8, OD), jnp.float32)
    part = _scatter_kernel(V, E, OD)(g1, y, zeros)

    inv_deg = 1.0 / max(float(V), 1.0)
    BN = 1000
    upd_v = pl.pallas_call(
        functools.partial(_fin_body, inv_deg),
        grid=(V // BN,),
        in_specs=[pl.BlockSpec((NC, BN, OD), lambda i: (0, i, 0))],
        out_specs=pl.BlockSpec((BN, OD), lambda i: (i, 0)),
        out_shape=jax.ShapeDtypeStruct((V, OD), jnp.float32),
    )(part)

    return upd_v.reshape(N, V, OD), ue.reshape(N, E, OD)

# --- scband reference (transcript-rebuilt; emitter-appended) ---
"""Pipeline reference for scband-gnnlayer-31207232372898 (READ-ONLY COPY).

The authoritative reference and input builder live on the scoring server;
editing this copy changes nothing except your own understanding.
"""

import jax, jax.numpy as jnp
import numpy as np

N, V, E = 1, 10000, 160000
NODE_DIM, EDGE_DIM, OUT_DIM = 128, 16, 128
IN_DIM = NODE_DIM * 2 + EDGE_DIM


def setup_inputs(seed: int = 0) -> dict:
    key = jax.random.key(seed)
    ks = jax.random.split(key, 12)
    v = jax.random.normal(ks[0], (N, V, NODE_DIM), dtype=jnp.float32)
    e = jax.random.normal(ks[1], (N, E, EDGE_DIM), dtype=jnp.float32)
    G = jax.random.randint(ks[2], (E, 2), 0, V, dtype=jnp.int32)
    A = jnp.ones((V, V), dtype=jnp.float32)
    s = 0.05
    Wn1 = jax.random.normal(ks[3], (IN_DIM, OUT_DIM), dtype=jnp.float32) * s
    bn1 = jnp.zeros((OUT_DIM,), dtype=jnp.float32)
    Wn2 = jax.random.normal(ks[4], (OUT_DIM, OUT_DIM), dtype=jnp.float32) * s
    bn2 = jnp.zeros((OUT_DIM,), dtype=jnp.float32)
    We1 = jax.random.normal(ks[5], (IN_DIM, OUT_DIM), dtype=jnp.float32) * s
    be1 = jnp.zeros((OUT_DIM,), dtype=jnp.float32)
    We2 = jax.random.normal(ks[6], (OUT_DIM, OUT_DIM), dtype=jnp.float32) * s
    be2 = jnp.zeros((OUT_DIM,), dtype=jnp.float32)
    return {"v": v, "e": e, "G": G, "A": A, "Wn1": Wn1, "bn1": bn1, "Wn2": Wn2, "bn2": bn2, "We1": We1, "be1": be1, "We2": We2, "be2": be2}


def reference(v, e, G, A, Wn1, bn1, Wn2, bn2, We1, be1, We2, be2):
    Nn, Vv, _ = v.shape
    v_sour = v[:, G[:, 0], :]
    v_term = v[:, G[:, 1], :]
    x = jnp.concatenate([v_sour, v_term, e], axis=-1)
    y = jax.nn.relu(x @ Wn1 + bn1) @ Wn2 + bn2
    update_v = jnp.zeros((Nn, Vv, OUT_DIM), dtype=y.dtype).at[:, G[:, 1], :].add(y)
    degree = jnp.clip(jnp.sum(A, axis=0), 1.0, None)
    degree = jax.lax.stop_gradient(degree)
    update_v = update_v / degree[None, :, None]
    update_e = jax.nn.relu(x @ We1 + be1) @ We2 + be2
    return jax.nn.relu(update_v), jax.nn.relu(update_e)

if __name__ == "__main__":
    import jax
    _d = setup_inputs()
    print(jax.jit(kernel)(*tuple(_d.values())))

</pallas_src>

<mosaic_0001>
#map = affine_map<(d0, d1) -> (0)>
#map1 = affine_map<(d0, d1) -> (0, 0)>
#map2 = affine_map<(d0, d1) -> (0, 0, 0)>
module attributes {stable_mosaic.version = 14 : i64} {
  func.func @k(%arg0: i32, %arg1: i32, %arg2: memref<160000xi32, #tpu.memory_space<hbm>>, %arg3: memref<160000x128xf32, #tpu.memory_space<hbm>>, %arg4: memref<624x128xf32, #tpu.memory_space<hbm>>, %arg5: memref<2x10000x128xf32, #tpu.memory_space<hbm>>, %arg6: memref<128xi32, #tpu.memory_space<vmem>>, %arg7: memref<128xi32, #tpu.memory_space<vmem>>, %arg8: memref<128x128xf32, #tpu.memory_space<vmem>>, %arg9: memref<128x128xf32, #tpu.memory_space<vmem>>, %arg10: memref<!tpu.dma_semaphore, #tpu.memory_space<semaphore_mem>>, %arg11: memref<!tpu.dma_semaphore, #tpu.memory_space<semaphore_mem>>, %arg12: memref<!tpu.dma_semaphore, #tpu.memory_space<semaphore_mem>>, %arg13: memref<!tpu.dma_semaphore, #tpu.memory_space<semaphore_mem>>, %arg14: memref<10000x128xf32, #tpu.memory_space<vmem_shared>>) attributes {dimension_semantics = [#tpu.dimension_semantics<core_parallel>, #tpu.dimension_semantics<subcore_parallel>], iteration_bounds = array<i64: 2, 16>, scalar_prefetch = 0 : i64, scratch_operands = 9 : i64, tpu.core_type = #tpu.core_type<sc_vector_subcore>, window_params = [{transform_indices = #map}, {transform_indices = #map1}, {transform_indices = #map1}, {transform_indices = #map2}]} {
    %mul3A = arith.constant 16 : i32
    %mul3A_0 = arith.muli %arg0, %mul3A : i32
    %add3A = arith.addi %mul3A_0, %arg1 : i32
    %mul3A_1 = arith.constant 624 : i32
    %mul3A_2 = arith.muli %arg1, %mul3A_1 : i32
    "tpu.region"() ({
      %run_scoped3A = tpu.sem_alloc : memref<!tpu.dma_semaphore, #tpu.memory_space<semaphore_mem>>
      %dma_start3A = arith.constant 0 : i32
      %dma_start3A_33 = tpu.memref_slice %arg14[%mul3A_2, %dma_start3A] : memref<10000x128xf32, #tpu.memory_space<vmem_shared>> -> memref<624x128xf32, #tpu.memory_space<vmem_shared>>
      %dma_start3A_34 = arith.constant 0 : i32
      %dma_start3A_35 = arith.constant 0 : i32
      %dma_start3A_36 = tpu.memref_slice %arg4[%dma_start3A_34, %dma_start3A_35] : memref<624x128xf32, #tpu.memory_space<hbm>> -> memref<624x128xf32, #tpu.memory_space<hbm>>
      tpu.enqueue_dma source(%dma_start3A_36 : memref<624x128xf32, #tpu.memory_space<hbm>>) target(%dma_start3A_33 : memref<624x128xf32, #tpu.memory_space<vmem_shared>>) target_semaphore(%run_scoped3A : memref<!tpu.dma_semaphore, #tpu.memory_space<semaphore_mem>>)
      %dma_wait3A = arith.constant 0 : i32
      %dma_wait3A_37 = tpu.memref_slice %arg14[%mul3A_2, %dma_wait3A] : memref<10000x128xf32, #tpu.memory_space<vmem_shared>> -> memref<624x128xf32, #tpu.memory_space<vmem_shared>>
      %dma_wait3A_38 = arith.constant 0 : i32
      %dma_wait3A_39 = arith.constant 0 : i32
      %dma_wait3A_40 = tpu.memref_slice %arg4[%dma_wait3A_38, %dma_wait3A_39] : memref<624x128xf32, #tpu.memory_space<hbm>> -> memref<624x128xf32, #tpu.memory_space<hbm>>
      tpu.wait_dma2 semaphore(%run_scoped3A : memref<!tpu.dma_semaphore, #tpu.memory_space<semaphore_mem>>) src(%dma_wait3A_40 : memref<624x128xf32, #tpu.memory_space<hbm>>) dst(%dma_wait3A_37 : memref<624x128xf32, #tpu.memory_space<vmem_shared>>)
      tpu.yield
    }) : () -> ()
    %eq3A = arith.constant 0 : i32
    %eq3A_3 = arith.cmpi eq, %arg1, %eq3A : i32
    %convert_element_type3A = arith.extui %eq3A_3 : i1 to i32
    %cond3A = arith.constant 0 : i32
    %cond3A_4 = arith.cmpi ne, %convert_element_type3A, %cond3A : i32
    scf.if %cond3A_4 {
      "tpu.region"() ({
        %run_scoped3A = tpu.sem_alloc : memref<!tpu.dma_semaphore, #tpu.memory_space<semaphore_mem>>
        %dma_start3A = arith.constant 9984 : i32
        %dma_start3A_33 = arith.constant 0 : i32
        %dma_start3A_34 = tpu.memref_slice %arg14[%dma_start3A, %dma_start3A_33] : memref<10000x128xf32, #tpu.memory_space<vmem_shared>> -> memref<16x128xf32, #tpu.memory_space<vmem_shared>>
        %dma_start3A_35 = arith.constant 0 : i32
        %dma_start3A_36 = arith.constant 0 : i32
        %dma_start3A_37 = tpu.memref_slice %arg4[%dma_start3A_35, %dma_start3A_36] : memref<624x128xf32, #tpu.memory_space<hbm>> -> memref<16x128xf32, #tpu.memory_space<hbm>>
        tpu.enqueue_dma source(%dma_start3A_37 : memref<16x128xf32, #tpu.memory_space<hbm>>) target(%dma_start3A_34 : memref<16x128xf32, #tpu.memory_space<vmem_shared>>) target_semaphore(%run_scoped3A : memref<!tpu.dma_semaphore, #tpu.memory_space<semaphore_mem>>)
        %dma_wait3A = arith.constant 9984 : i32
        %dma_wait3A_38 = arith.constant 0 : i32
        %dma_wait3A_39 = tpu.memref_slice %arg14[%dma_wait3A, %dma_wait3A_38] : memref<10000x128xf32, #tpu.memory_space<vmem_shared>> -> memref<16x128xf32, #tpu.memory_space<vmem_shared>>
        %dma_wait3A_40 = arith.constant 0 : i32
        %dma_wait3A_41 = arith.constant 0 : i32
        %dma_wait3A_42 = tpu.memref_slice %arg4[%dma_wait3A_40, %dma_wait3A_41] : memref<624x128xf32, #tpu.memory_space<hbm>> -> memref<16x128xf32, #tpu.memory_space<hbm>>
        tpu.wait_dma2 semaphore(%run_scoped3A : memref<!tpu.dma_semaphore, #tpu.memory_space<semaphore_mem>>) src(%dma_wait3A_42 : memref<16x128xf32, #tpu.memory_space<hbm>>) dst(%dma_wait3A_39 : memref<16x128xf32, #tpu.memory_space<vmem_shared>>)
        tpu.yield
      }) : () -> ()
    } else {
    }
    %barrier3A = arith.constant 0 : index
    tpu.barrier barrier_id(%barrier3A)
    %add3A_5 = arith.constant 0 : i32
    %add3A_6 = arith.addi %add3A_5, %add3A : i32
    %lt3A = arith.constant 1250 : i32
    %lt3A_7 = arith.cmpi slt, %add3A_6, %lt3A : i32
    %convert_element_type3A_8 = arith.extui %lt3A_7 : i1 to i32
    %cond3A_9 = arith.constant 0 : i32
    %cond3A_10 = arith.cmpi ne, %convert_element_type3A_8, %cond3A_9 : i32
    scf.if %cond3A_10 {
      %mul3A_33 = arith.constant 128 : i32
      %mul3A_34 = arith.muli %add3A_6, %mul3A_33 : i32
      "tpu.region"() ({
        %run_scoped3A = tpu.sem_alloc : memref<!tpu.dma_semaphore, #tpu.memory_space<semaphore_mem>>
        %dma_start3A_40 = tpu.memref_slice %arg2[%mul3A_34] : memref<160000xi32, #tpu.memory_space<hbm>> -> memref<128xi32, #tpu.memory_space<hbm>>
        %dma_start3A_41 = tpu.memref_slice %arg2[%mul3A_34] : memref<160000xi32, #tpu.memory_space<hbm>> -> memref<128xi32, #tpu.memory_space<hbm>>
        tpu.enqueue_dma source(%dma_start3A_41 : memref<128xi32, #tpu.memory_space<hbm>>) target(%arg6 : memref<128xi32, #tpu.memory_space<vmem>>) target_semaphore(%run_scoped3A : memref<!tpu.dma_semaphore, #tpu.memory_space<semaphore_mem>>)
        %dma_wait3A = tpu.memref_slice %arg2[%mul3A_34] : memref<160000xi32, #tpu.memory_space<hbm>> -> memref<128xi32, #tpu.memory_space<hbm>>
        %dma_wait3A_42 = tpu.memref_slice %arg2[%mul3A_34] : memref<160000xi32, #tpu.memory_space<hbm>> -> memref<128xi32, #tpu.memory_space<hbm>>
        tpu.wait_dma2 semaphore(%run_scoped3A : memref<!tpu.dma_semaphore, #tpu.memory_space<semaphore_mem>>) src(%dma_wait3A_42 : memref<128xi32, #tpu.memory_space<hbm>>) dst(%arg6 : memref<128xi32, #tpu.memory_space<vmem>>)
        tpu.yield
      }) : () -> ()
      %mul3A_35 = arith.constant 128 : i32
      %mul3A_36 = arith.muli %add3A_6, %mul3A_35 : i32
      %dma_start3A = arith.constant 0 : i32
      %dma_start3A_37 = tpu.memref_slice %arg3[%mul3A_36, %dma_start3A] : memref<160000x128xf32, #tpu.memory_space<hbm>> -> memref<128x128xf32, #tpu.memory_space<hbm>>
      %dma_start3A_38 = arith.constant 0 : i32
      %dma_start3A_39 = tpu.memref_slice %arg3[%mul3A_36, %dma_start3A_38] : memref<160000x128xf32, #tpu.memory_space<hbm>> -> memref<128x128xf32, #tpu.memory_space<hbm>>
      tpu.enqueue_dma source(%dma_start3A_39 : memref<128x128xf32, #tpu.memory_space<hbm>>) target(%arg8 : memref<128x128xf32, #tpu.memory_space<vmem>>) target_semaphore(%arg10 : memref<!tpu.dma_semaphore, #tpu.memory_space<semaphore_mem>>)
    } else {
    }
    %add3A_11 = arith.constant 32 : i32
    %add3A_12 = arith.addi %add3A_11, %add3A : i32
    %lt3A_13 = arith.constant 1250 : i32
    %lt3A_14 = arith.cmpi slt, %add3A_12, %lt3A_13 : i32
    %convert_element_type3A_15 = arith.extui %lt3A_14 : i1 to i32
    %cond3A_16 = arith.constant 0 : i32
    %cond3A_17 = arith.cmpi ne, %convert_element_type3A_15, %cond3A_16 : i32
    scf.if %cond3A_17 {
      %mul3A_33 = arith.constant 128 : i32
      %mul3A_34 = arith.muli %add3A_12, %mul3A_33 : i32
      "tpu.region"() ({
        %run_scoped3A = tpu.sem_alloc : memref<!tpu.dma_semaphore, #tpu.memory_space<semaphore_mem>>
        %dma_start3A_40 = tpu.memref_slice %arg2[%mul3A_34] : memref<160000xi32, #tpu.memory_space<hbm>> -> memref<128xi32, #tpu.memory_space<hbm>>
        %dma_start3A_41 = tpu.memref_slice %arg2[%mul3A_34] : memref<160000xi32, #tpu.memory_space<hbm>> -> memref<128xi32, #tpu.memory_space<hbm>>
        tpu.enqueue_dma source(%dma_start3A_41 : memref<128xi32, #tpu.memory_space<hbm>>) target(%arg7 : memref<128xi32, #tpu.memory_space<vmem>>) target_semaphore(%run_scoped3A : memref<!tpu.dma_semaphore, #tpu.memory_space<semaphore_mem>>)
        %dma_wait3A = tpu.memref_slice %arg2[%mul3A_34] : memref<160000xi32, #tpu.memory_space<hbm>> -> memref<128xi32, #tpu.memory_space<hbm>>
        %dma_wait3A_42 = tpu.memref_slice %arg2[%mul3A_34] : memref<160000xi32, #tpu.memory_space<hbm>> -> memref<128xi32, #tpu.memory_space<hbm>>
        tpu.wait_dma2 semaphore(%run_scoped3A : memref<!tpu.dma_semaphore, #tpu.memory_space<semaphore_mem>>) src(%dma_wait3A_42 : memref<128xi32, #tpu.memory_space<hbm>>) dst(%arg7 : memref<128xi32, #tpu.memory_space<vmem>>)
        tpu.yield
      }) : () -> ()
      %mul3A_35 = arith.constant 128 : i32
      %mul3A_36 = arith.muli %add3A_12, %mul3A_35 : i32
      %dma_start3A = arith.constant 0 : i32
      %dma_start3A_37 = tpu.memref_slice %arg3[%mul3A_36, %dma_start3A] : memref<160000x128xf32, #tpu.memory_space<hbm>> -> memref<128x128xf32, #tpu.memory_space<hbm>>
      %dma_start3A_38 = arith.constant 0 : i32
      %dma_start3A_39 = tpu.memref_slice %arg3[%mul3A_36, %dma_start3A_38] : memref<160000x128xf32, #tpu.memory_space<hbm>> -> memref<128x128xf32, #tpu.memory_space<hbm>>
      tpu.enqueue_dma source(%dma_start3A_39 : memref<128x128xf32, #tpu.memory_space<hbm>>) target(%arg9 : memref<128x128xf32, #tpu.memory_space<vmem>>) target_semaphore(%arg11 : memref<!tpu.dma_semaphore, #tpu.memory_space<semaphore_mem>>)
    } else {
    }
    %scan3A = arith.constant 0 : i32
    %scan3A_18 = arith.constant 0 : i32
    %scan3A_19 = arith.constant 20 : i32
    %scan3A_20 = arith.addi %scan3A_18, %scan3A_19 : i32
    %scan3A_21 = arith.constant 1 : i32
    scf.for %scan3A_33 = %scan3A_18 to %scan3A_20 step %scan3A_21  : i32 {
      %mul3A_34 = arith.constant 2 : i32
      %mul3A_35 = arith.muli %mul3A_34, %scan3A_33 : i32
      %add3A_36 = arith.constant 0 : i32
      %add3A_37 = arith.addi %mul3A_35, %add3A_36 : i32
      %mul3A_38 = arith.constant 32 : i32
      %mul3A_39 = arith.muli %add3A_37, %mul3A_38 : i32
      %add3A_40 = arith.addi %mul3A_39, %add3A : i32
      %lt3A_41 = arith.constant 1250 : i32
      %lt3A_42 = arith.cmpi slt, %add3A_40, %lt3A_41 : i32
      %convert_element_type3A_43 = arith.extui %lt3A_42 : i1 to i32
      %cond3A_44 = arith.constant 0 : i32
      %cond3A_45 = arith.cmpi ne, %convert_element_type3A_43, %cond3A_44 : i32
      scf.if %cond3A_45 {
        %mul3A_78 = arith.constant 128 : i32
        %mul3A_79 = arith.muli %add3A_40, %mul3A_78 : i32
        %dma_wait3A = arith.constant 0 : i32
        %dma_wait3A_80 = tpu.memref_slice %arg3[%mul3A_79, %dma_wait3A] : memref<160000x128xf32, #tpu.memory_space<hbm>> -> memref<128x128xf32, #tpu.memory_space<hbm>>
        %dma_wait3A_81 = arith.constant 0 : i32
        %dma_wait3A_82 = tpu.memref_slice %arg3[%mul3A_79, %dma_wait3A_81] : memref<160000x128xf32, #tpu.memory_space<hbm>> -> memref<128x128xf32, #tpu.memory_space<hbm>>
        tpu.wait_dma2 semaphore(%arg10 : memref<!tpu.dma_semaphore, #tpu.memory_space<semaphore_mem>>) src(%dma_wait3A_82 : memref<128x128xf32, #tpu.memory_space<hbm>>) dst(%arg8 : memref<128x128xf32, #tpu.memory_space<vmem>>)
        %dma_start3A = arith.constant 0 : i32
        %dma_start3A_83 = arith.constant 0 : i32
        %dma_start3A_84 = tpu.memref_slice %arg14[%dma_start3A, %dma_start3A_83] : memref<10000x128xf32, #tpu.memory_space<vmem_shared>> -> memref<10000x128xf32, #tpu.memory_space<vmem_shared>>
        tpu.enqueue_indirect_dma source(%arg8 : memref<128x128xf32, #tpu.memory_space<vmem>>) target(%dma_start3A_84 : memref<10000x128xf32, #tpu.memory_space<vmem_shared>>) offsets(%arg6 : memref<128xi32, #tpu.memory_space<vmem>>) semaphore(%arg12 : memref<!tpu.dma_semaphore, #tpu.memory_space<semaphore_mem>>) {add = true}
        %dma_wait3A_85 = arith.constant 0 : i32
        %dma_wait3A_86 = arith.constant 0 : i32
        %dma_wait3A_87 = tpu.memref_slice %arg14[%dma_wait3A_85, %dma_wait3A_86] : memref<10000x128xf32, #tpu.memory_space<vmem_shared>> -> memref<10000x128xf32, #tpu.memory_space<vmem_shared>>
        tpu.wait_indirect_dma semaphore(%arg12 : memref<!tpu.dma_semaphore, #tpu.memory_space<semaphore_mem>>) src(%arg8 : memref<128x128xf32, #tpu.memory_space<vmem>>) dst(%dma_wait3A_87 : memref<10000x128xf32, #tpu.memory_space<vmem_shared>>)
      } else {
      }
      %add3A_46 = arith.constant 2 : i32
      %add3A_47 = arith.addi %add3A_37, %add3A_46 : i32
      %mul3A_48 = arith.constant 32 : i32
      %mul3A_49 = arith.muli %add3A_47, %mul3A_48 : i32
      %add3A_50 = arith.addi %mul3A_49, %add3A : i32
      %lt3A_51 = arith.constant 1250 : i32
      %lt3A_52 = arith.cmpi slt, %add3A_50, %lt3A_51 : i32
      %convert_element_type3A_53 = arith.extui %lt3A_52 : i1 to i32
      %cond3A_54 = arith.constant 0 : i32
      %cond3A_55 = arith.cmpi ne, %convert_element_type3A_53, %cond3A_54 : i32
      scf.if %cond3A_55 {
        %mul3A_78 = arith.constant 128 : i32
        %mul3A_79 = arith.muli %add3A_50, %mul3A_78 : i32
        "tpu.region"() ({
          %run_scoped3A = tpu.sem_alloc : memref<!tpu.dma_semaphore, #tpu.memory_space<semaphore_mem>>
          %dma_start3A_85 = tpu.memref_slice %arg2[%mul3A_79] : memref<160000xi32, #tpu.memory_space<hbm>> -> memref<128xi32, #tpu.memory_space<hbm>>
          %dma_start3A_86 = tpu.memref_slice %arg2[%mul3A_79] : memref<160000xi32, #tpu.memory_space<hbm>> -> memref<128xi32, #tpu.memory_space<hbm>>
          tpu.enqueue_dma source(%dma_start3A_86 : memref<128xi32, #tpu.memory_space<hbm>>) target(%arg6 : memref<128xi32, #tpu.memory_space<vmem>>) target_semaphore(%run_scoped3A : memref<!tpu.dma_semaphore, #tpu.memory_space<semaphore_mem>>)
          %dma_wait3A = tpu.memref_slice %arg2[%mul3A_79] : memref<160000xi32, #tpu.memory_space<hbm>> -> memref<128xi32, #tpu.memory_space<hbm>>
          %dma_wait3A_87 = tpu.memref_slice %arg2[%mul3A_79] : memref<160000xi32, #tpu.memory_space<hbm>> -> memref<128xi32, #tpu.memory_space<hbm>>
          tpu.wait_dma2 semaphore(%run_scoped3A : memref<!tpu.dma_semaphore, #tpu.memory_space<semaphore_mem>>) src(%dma_wait3A_87 : memref<128xi32, #tpu.memory_space<hbm>>) dst(%arg6 : memref<128xi32, #tpu.memory_space<vmem>>)
          tpu.yield
        }) : () -> ()
        %mul3A_80 = arith.constant 128 : i32
        %mul3A_81 = arith.muli %add3A_50, %mul3A_80 : i32
        %dma_start3A = arith.constant 0 : i32
        %dma_start3A_82 = tpu.memref_slice %arg3[%mul3A_81, %dma_start3A] : memref<160000x128xf32, #tpu.memory_space<hbm>> -> memref<128x128xf32, #tpu.memory_space<hbm>>
        %dma_start3A_83 = arith.constant 0 : i32
        %dma_start3A_84 = tpu.memref_slice %arg3[%mul3A_81, %dma_start3A_83] : memref<160000x128xf32, #tpu.memory_space<hbm>> -> memref<128x128xf32, #tpu.memory_space<hbm>>
        tpu.enqueue_dma source(%dma_start3A_84 : memref<128x128xf32, #tpu.memory_space<hbm>>) target(%arg8 : memref<128x128xf32, #tpu.memory_space<vmem>>) target_semaphore(%arg10 : memref<!tpu.dma_semaphore, #tpu.memory_space<semaphore_mem>>)
      } else {
      }
      %mul3A_56 = arith.constant 2 : i32
      %mul3A_57 = arith.muli %mul3A_56, %scan3A_33 : i32
      %add3A_58 = arith.constant 1 : i32
      %add3A_59 = arith.addi %mul3A_57, %add3A_58 : i32
      %mul3A_60 = arith.constant 32 : i32
      %mul3A_61 = arith.muli %add3A_59, %mul3A_60 : i32
      %add3A_62 = arith.addi %mul3A_61, %add3A : i32
      %lt3A_63 = arith.constant 1250 : i32
      %lt3A_64 = arith.cmpi slt, %add3A_62, %lt3A_63 : i32
      %convert_element_type3A_65 = arith.extui %lt3A_64 : i1 to i32
      %cond3A_66 = arith.constant 0 : i32
      %cond3A_67 = arith.cmpi ne, %convert_element_type3A_65, %cond3A_66 : i32
      scf.if %cond3A_67 {
        %mul3A_78 = arith.constant 128 : i32
        %mul3A_79 = arith.muli %add3A_62, %mul3A_78 : i32
        %dma_wait3A = arith.constant 0 : i32
        %dma_wait3A_80 = tpu.memref_slice %arg3[%mul3A_79, %dma_wait3A] : memref<160000x128xf32, #tpu.memory_space<hbm>> -> memref<128x128xf32, #tpu.memory_space<hbm>>
        %dma_wait3A_81 = arith.constant 0 : i32
        %dma_wait3A_82 = tpu.memref_slice %arg3[%mul3A_79, %dma_wait3A_81] : memref<160000x128xf32, #tpu.memory_space<hbm>> -> memref<128x128xf32, #tpu.memory_space<hbm>>
        tpu.wait_dma2 semaphore(%arg11 : memref<!tpu.dma_semaphore, #tpu.memory_space<semaphore_mem>>) src(%dma_wait3A_82 : memref<128x128xf32, #tpu.memory_space<hbm>>) dst(%arg9 : memref<128x128xf32, #tpu.memory_space<vmem>>)
        %dma_start3A = arith.constant 0 : i32
        %dma_start3A_83 = arith.constant 0 : i32
        %dma_start3A_84 = tpu.memref_slice %arg14[%dma_start3A, %dma_start3A_83] : memref<10000x128xf32, #tpu.memory_space<vmem_shared>> -> memref<10000x128xf32, #tpu.memory_space<vmem_shared>>
        tpu.enqueue_indirect_dma source(%arg9 : memref<128x128xf32, #tpu.memory_space<vmem>>) target(%dma_start3A_84 : memref<10000x128xf32, #tpu.memory_space<vmem_shared>>) offsets(%arg7 : memref<128xi32, #tpu.memory_space<vmem>>) semaphore(%arg13 : memref<!tpu.dma_semaphore, #tpu.memory_space<semaphore_mem>>) {add = true}
        %dma_wait3A_85 = arith.constant 0 : i32
        %dma_wait3A_86 = arith.constant 0 : i32
        %dma_wait3A_87 = tpu.memref_slice %arg14[%dma_wait3A_85, %dma_wait3A_86] : memref<10000x128xf32, #tpu.memory_space<vmem_shared>> -> memref<10000x128xf32, #tpu.memory_space<vmem_shared>>
        tpu.wait_indirect_dma semaphore(%arg13 : memref<!tpu.dma_semaphore, #tpu.memory_space<semaphore_mem>>) src(%arg9 : memref<128x128xf32, #tpu.memory_space<vmem>>) dst(%dma_wait3A_87 : memref<10000x128xf32, #tpu.memory_space<vmem_shared>>)
      } else {
      }
      %add3A_68 = arith.constant 2 : i32
      %add3A_69 = arith.addi %add3A_59, %add3A_68 : i32
      %mul3A_70 = arith.constant 32 : i32
      %mul3A_71 = arith.muli %add3A_69, %mul3A_70 : i32
      %add3A_72 = arith.addi %mul3A_71, %add3A : i32
      %lt3A_73 = arith.constant 1250 : i32
      %lt3A_74 = arith.cmpi slt, %add3A_72, %lt3A_73 : i32
      %convert_element_type3A_75 = arith.extui %lt3A_74 : i1 to i32
      %cond3A_76 = arith.constant 0 : i32
      %cond3A_77 = arith.cmpi ne, %convert_element_type3A_75, %cond3A_76 : i32
      scf.if %cond3A_77 {
        %mul3A_78 = arith.constant 128 : i32
        %mul3A_79 = arith.muli %add3A_72, %mul3A_78 : i32
        "tpu.region"() ({
          %run_scoped3A = tpu.sem_alloc : memref<!tpu.dma_semaphore, #tpu.memory_space<semaphore_mem>>
          %dma_start3A_85 = tpu.memref_slice %arg2[%mul3A_79] : memref<160000xi32, #tpu.memory_space<hbm>> -> memref<128xi32, #tpu.memory_space<hbm>>
          %dma_start3A_86 = tpu.memref_slice %arg2[%mul3A_79] : memref<160000xi32, #tpu.memory_space<hbm>> -> memref<128xi32, #tpu.memory_space<hbm>>
          tpu.enqueue_dma source(%dma_start3A_86 : memref<128xi32, #tpu.memory_space<hbm>>) target(%arg7 : memref<128xi32, #tpu.memory_space<vmem>>) target_semaphore(%run_scoped3A : memref<!tpu.dma_semaphore, #tpu.memory_space<semaphore_mem>>)
          %dma_wait3A = tpu.memref_slice %arg2[%mul3A_79] : memref<160000xi32, #tpu.memory_space<hbm>> -> memref<128xi32, #tpu.memory_space<hbm>>
          %dma_wait3A_87 = tpu.memref_slice %arg2[%mul3A_79] : memref<160000xi32, #tpu.memory_space<hbm>> -> memref<128xi32, #tpu.memory_space<hbm>>
          tpu.wait_dma2 semaphore(%run_scoped3A : memref<!tpu.dma_semaphore, #tpu.memory_space<semaphore_mem>>) src(%dma_wait3A_87 : memref<128xi32, #tpu.memory_space<hbm>>) dst(%arg7 : memref<128xi32, #tpu.memory_space<vmem>>)
          tpu.yield
        }) : () -> ()
        %mul3A_80 = arith.constant 128 : i32
        %mul3A_81 = arith.muli %add3A_72, %mul3A_80 : i32
        %dma_start3A = arith.constant 0 : i32
        %dma_start3A_82 = tpu.memref_slice %arg3[%mul3A_81, %dma_start3A] : memref<160000x128xf32, #tpu.memory_space<hbm>> -> memref<128x128xf32, #tpu.memory_space<hbm>>
        %dma_start3A_83 = arith.constant 0 : i32
        %dma_start3A_84 = tpu.memref_slice %arg3[%mul3A_81, %dma_start3A_83] : memref<160000x128xf32, #tpu.memory_space<hbm>> -> memref<128x128xf32, #tpu.memory_space<hbm>>
        tpu.enqueue_dma source(%dma_start3A_84 : memref<128x128xf32, #tpu.memory_space<hbm>>) target(%arg9 : memref<128x128xf32, #tpu.memory_space<vmem>>) target_semaphore(%arg11 : memref<!tpu.dma_semaphore, #tpu.memory_space<semaphore_mem>>)
      } else {
      }
    }
    %scan3A_22 = arith.constant 20 : i32
    %barrier3A_23 = arith.constant 0 : index
    tpu.barrier barrier_id(%barrier3A_23)
    %mul3A_24 = arith.constant 624 : i32
    %mul3A_25 = arith.muli %arg1, %mul3A_24 : i32
    %mul3A_26 = arith.constant 624 : i32
    %mul3A_27 = arith.muli %arg1, %mul3A_26 : i32
    "tpu.region"() ({
      %run_scoped3A = tpu.sem_alloc : memref<!tpu.dma_semaphore, #tpu.memory_space<semaphore_mem>>
      %dma_start3A = arith.constant 0 : i32
      %dma_start3A_33 = tpu.memref_slice %arg5[%arg0, %mul3A_27, %dma_start3A] : memref<2x10000x128xf32, #tpu.memory_space<hbm>> -> memref<1x624x128xf32, #tpu.memory_space<hbm>>
      %dma_start3A_34 = tpu.memref_squeeze %dma_start3A_33 : memref<1x624x128xf32, #tpu.memory_space<hbm>> -> memref<624x128xf32, #tpu.memory_space<hbm>>
      %dma_start3A_35 = arith.constant 0 : i32
      %dma_start3A_36 = tpu.memref_slice %arg14[%mul3A_25, %dma_start3A_35] : memref<10000x128xf32, #tpu.memory_space<vmem_shared>> -> memref<624x128xf32, #tpu.memory_space<vmem_shared>>
      tpu.enqueue_dma source(%dma_start3A_36 : memref<624x128xf32, #tpu.memory_space<vmem_shared>>) target(%dma_start3A_34 : memref<624x128xf32, #tpu.memory_space<hbm>>) target_semaphore(%run_scoped3A : memref<!tpu.dma_semaphore, #tpu.memory_space<semaphore_mem>>)
      %dma_wait3A = arith.constant 0 : i32
      %dma_wait3A_37 = tpu.memref_slice %arg5[%arg0, %mul3A_27, %dma_wait3A] : memref<2x10000x128xf32, #tpu.memory_space<hbm>> -> memref<1x624x128xf32, #tpu.memory_space<hbm>>
      %dma_wait3A_38 = tpu.memref_squeeze %dma_wait3A_37 : memref<1x624x128xf32, #tpu.memory_space<hbm>> -> memref<624x128xf32, #tpu.memory_space<hbm>>
      %dma_wait3A_39 = arith.constant 0 : i32
      %dma_wait3A_40 = tpu.memref_slice %arg14[%mul3A_25, %dma_wait3A_39] : memref<10000x128xf32, #tpu.memory_space<vmem_shared>> -> memref<624x128xf32, #tpu.memory_space<vmem_shared>>
      tpu.wait_dma2 semaphore(%run_scoped3A : memref<!tpu.dma_semaphore, #tpu.memory_space<semaphore_mem>>) src(%dma_wait3A_40 : memref<624x128xf32, #tpu.memory_space<vmem_shared>>) dst(%dma_wait3A_38 : memref<624x128xf32, #tpu.memory_space<hbm>>)
      tpu.yield
    }) : () -> ()
    %eq3A_28 = arith.constant 0 : i32
    %eq3A_29 = arith.cmpi eq, %arg1, %eq3A_28 : i32
    %convert_element_type3A_30 = arith.extui %eq3A_29 : i1 to i32
    %cond3A_31 = arith.constant 0 : i32
    %cond3A_32 = arith.cmpi ne, %convert_element_type3A_30, %cond3A_31 : i32
    scf.if %cond3A_32 {
      "tpu.region"() ({
        %run_scoped3A = tpu.sem_alloc : memref<!tpu.dma_semaphore, #tpu.memory_space<semaphore_mem>>
        %dma_start3A = arith.constant 9984 : i32
        %dma_start3A_33 = arith.constant 0 : i32
        %dma_start3A_34 = tpu.memref_slice %arg5[%arg0, %dma_start3A, %dma_start3A_33] : memref<2x10000x128xf32, #tpu.memory_space<hbm>> -> memref<1x16x128xf32, #tpu.memory_space<hbm>>
        %dma_start3A_35 = tpu.memref_squeeze %dma_start3A_34 : memref<1x16x128xf32, #tpu.memory_space<hbm>> -> memref<16x128xf32, #tpu.memory_space<hbm>>
        %dma_start3A_36 = arith.constant 9984 : i32
        %dma_start3A_37 = arith.constant 0 : i32
        %dma_start3A_38 = tpu.memref_slice %arg14[%dma_start3A_36, %dma_start3A_37] : memref<10000x128xf32, #tpu.memory_space<vmem_shared>> -> memref<16x128xf32, #tpu.memory_space<vmem_shared>>
        tpu.enqueue_dma source(%dma_start3A_38 : memref<16x128xf32, #tpu.memory_space<vmem_shared>>) target(%dma_start3A_35 : memref<16x128xf32, #tpu.memory_space<hbm>>) target_semaphore(%run_scoped3A : memref<!tpu.dma_semaphore, #tpu.memory_space<semaphore_mem>>)
        %dma_wait3A = arith.constant 9984 : i32
        %dma_wait3A_39 = arith.constant 0 : i32
        %dma_wait3A_40 = tpu.memref_slice %arg5[%arg0, %dma_wait3A, %dma_wait3A_39] : memref<2x10000x128xf32, #tpu.memory_space<hbm>> -> memref<1x16x128xf32, #tpu.memory_space<hbm>>
        %dma_wait3A_41 = tpu.memref_squeeze %dma_wait3A_40 : memref<1x16x128xf32, #tpu.memory_space<hbm>> -> memref<16x128xf32, #tpu.memory_space<hbm>>
        %dma_wait3A_42 = arith.constant 9984 : i32
        %dma_wait3A_43 = arith.constant 0 : i32
        %dma_wait3A_44 = tpu.memref_slice %arg14[%dma_wait3A_42, %dma_wait3A_43] : memref<10000x128xf32, #tpu.memory_space<vmem_shared>> -> memref<16x128xf32, #tpu.memory_space<vmem_shared>>
        tpu.wait_dma2 semaphore(%run_scoped3A : memref<!tpu.dma_semaphore, #tpu.memory_space<semaphore_mem>>) src(%dma_wait3A_44 : memref<16x128xf32, #tpu.memory_space<vmem_shared>>) dst(%dma_wait3A_41 : memref<16x128xf32, #tpu.memory_space<hbm>>)
        tpu.yield
      }) : () -> ()
    } else {
    }
    return
  }
}

#map = affine_map<(d0, d1) -> (0)>
#map1 = affine_map<(d0, d1) -> (0, 0)>
module attributes {stable_mosaic.version = 14 : i64} {
  func.func @k(%arg0: i32, %arg1: i32, %arg2: memref<160000xi32, #tpu.memory_space<hbm>>, %arg3: memref<160000xi32, #tpu.memory_space<hbm>>, %arg4: memref<10000x128xf32, #tpu.memory_space<hbm>>, %arg5: memref<160000x128xf32, #tpu.memory_space<hbm>>, %arg6: memref<160000x128xf32, #tpu.memory_space<hbm>>, %arg7: memref<128xi32, #tpu.memory_space<vmem>>, %arg8: memref<128xi32, #tpu.memory_space<vmem>>, %arg9: memref<128xi32, #tpu.memory_space<vmem>>, %arg10: memref<128xi32, #tpu.memory_space<vmem>>, %arg11: memref<128x128xf32, #tpu.memory_space<vmem>>, %arg12: memref<128x128xf32, #tpu.memory_space<vmem>>, %arg13: memref<128x128xf32, #tpu.memory_space<vmem>>, %arg14: memref<128x128xf32, #tpu.memory_space<vmem>>, %arg15: memref<!tpu.dma_semaphore, #tpu.memory_space<semaphore_mem>>, %arg16: memref<!tpu.dma_semaphore, #tpu.memory_space<semaphore_mem>>, %arg17: memref<!tpu.dma_semaphore, #tpu.memory_space<semaphore_mem>>, %arg18: memref<!tpu.dma_semaphore, #tpu.memory_space<semaphore_mem>>) attributes {dimension_semantics = [#tpu.dimension_semantics<core_parallel>, #tpu.dimension_semantics<subcore_parallel>], iteration_bounds = array<i64: 2, 16>, scalar_prefetch = 0 : i64, scratch_operands = 12 : i64, tpu.core_type = #tpu.core_type<sc_vector_subcore>, window_params = [{transform_indices = #map}, {transform_indices = #map}, {transform_indices = #map1}, {transform_indices = #map1}, {transform_indices = #map1}]} {
    %mul3A = arith.constant 16 : i32
    %mul3A_0 = arith.muli %arg0, %mul3A : i32
    %add3A = arith.addi %mul3A_0, %arg1 : i32
    %add3A_1 = arith.constant 0 : i32
    %add3A_2 = arith.addi %add3A_1, %add3A : i32
    %lt3A = arith.constant 1250 : i32
    %lt3A_3 = arith.cmpi slt, %add3A_2, %lt3A : i32
    %convert_element_type3A = arith.extui %lt3A_3 : i1 to i32
    %cond3A = arith.constant 0 : i32
    %cond3A_4 = arith.cmpi ne, %convert_element_type3A, %cond3A : i32
    scf.if %cond3A_4 {
      %mul3A_17 = arith.constant 128 : i32
      %mul3A_18 = arith.muli %add3A_2, %mul3A_17 : i32
      "tpu.region"() ({
        %run_scoped3A = tpu.sem_alloc : memref<!tpu.dma_semaphore, #tpu.memory_space<semaphore_mem>>
        %dma_start3A_26 = tpu.memref_slice %arg2[%mul3A_18] : memref<160000xi32, #tpu.memory_space<hbm>> -> memref<128xi32, #tpu.memory_space<hbm>>
        %dma_start3A_27 = tpu.memref_slice %arg2[%mul3A_18] : memref<160000xi32, #tpu.memory_space<hbm>> -> memref<128xi32, #tpu.memory_space<hbm>>
        tpu.enqueue_dma source(%dma_start3A_27 : memref<128xi32, #tpu.memory_space<hbm>>) target(%arg7 : memref<128xi32, #tpu.memory_space<vmem>>) target_semaphore(%run_scoped3A : memref<!tpu.dma_semaphore, #tpu.memory_space<semaphore_mem>>)
        %dma_wait3A = tpu.memref_slice %arg2[%mul3A_18] : memref<160000xi32, #tpu.memory_space<hbm>> -> memref<128xi32, #tpu.memory_space<hbm>>
        %dma_wait3A_28 = tpu.memref_slice %arg2[%mul3A_18] : memref<160000xi32, #tpu.memory_space<hbm>> -> memref<128xi32, #tpu.memory_space<hbm>>
        tpu.wait_dma2 semaphore(%run_scoped3A : memref<!tpu.dma_semaphore, #tpu.memory_space<semaphore_mem>>) src(%dma_wait3A_28 : memref<128xi32, #tpu.memory_space<hbm>>) dst(%arg7 : memref<128xi32, #tpu.memory_space<vmem>>)
        tpu.yield
      }) : () -> ()
      %mul3A_19 = arith.constant 128 : i32
      %mul3A_20 = arith.muli %add3A_2, %mul3A_19 : i32
      "tpu.region"() ({
        %run_scoped3A = tpu.sem_alloc : memref<!tpu.dma_semaphore, #tpu.memory_space<semaphore_mem>>
        %dma_start3A_26 = tpu.memref_slice %arg3[%mul3A_20] : memref<160000xi32, #tpu.memory_space<hbm>> -> memref<128xi32, #tpu.memory_space<hbm>>
        %dma_start3A_27 = tpu.memref_slice %arg3[%mul3A_20] : memref<160000xi32, #tpu.memory_space<hbm>> -> memref<128xi32, #tpu.memory_space<hbm>>
        tpu.enqueue_dma source(%dma_start3A_27 : memref<128xi32, #tpu.memory_space<hbm>>) target(%arg9 : memref<128xi32, #tpu.memory_space<vmem>>) target_semaphore(%run_scoped3A : memref<!tpu.dma_semaphore, #tpu.memory_space<semaphore_mem>>)
        %dma_wait3A = tpu.memref_slice %arg3[%mul3A_20] : memref<160000xi32, #tpu.memory_space<hbm>> -> memref<128xi32, #tpu.memory_space<hbm>>
        %dma_wait3A_28 = tpu.memref_slice %arg3[%mul3A_20] : memref<160000xi32, #tpu.memory_space<hbm>> -> memref<128xi32, #tpu.memory_space<hbm>>
        tpu.wait_dma2 semaphore(%run_scoped3A : memref<!tpu.dma_semaphore, #tpu.memory_space<semaphore_mem>>) src(%dma_wait3A_28 : memref<128xi32, #tpu.memory_space<hbm>>) dst(%arg9 : memref<128xi32, #tpu.memory_space<vmem>>)
        tpu.yield
      }) : () -> ()
      %dma_start3A = arith.constant 0 : i32
      %dma_start3A_21 = arith.constant 0 : i32
      %dma_start3A_22 = tpu.memref_slice %arg4[%dma_start3A, %dma_start3A_21] : memref<10000x128xf32, #tpu.memory_space<hbm>> -> memref<10000x128xf32, #tpu.memory_space<hbm>>
      tpu.enqueue_indirect_dma source(%dma_start3A_22 : memref<10000x128xf32, #tpu.memory_space<hbm>>) target(%arg11 : memref<128x128xf32, #tpu.memory_space<vmem>>) offsets(%arg7 : memref<128xi32, #tpu.memory_space<vmem>>) semaphore(%arg15 : memref<!tpu.dma_semaphore, #tpu.memory_space<semaphore_mem>>)
      %dma_start3A_23 = arith.constant 0 : i32
      %dma_start3A_24 = arith.constant 0 : i32
      %dma_start3A_25 = tpu.memref_slice %arg4[%dma_start3A_23, %dma_start3A_24] : memref<10000x128xf32, #tpu.memory_space<hbm>> -> memref<10000x128xf32, #tpu.memory_space<hbm>>
      tpu.enqueue_indirect_dma source(%dma_start3A_25 : memref<10000x128xf32, #tpu.memory_space<hbm>>) target(%arg13 : memref<128x128xf32, #tpu.memory_space<vmem>>) offsets(%arg9 : memref<128xi32, #tpu.memory_space<vmem>>) semaphore(%arg15 : memref<!tpu.dma_semaphore, #tpu.memory_space<semaphore_mem>>)
    } else {
    }
    %add3A_5 = arith.constant 32 : i32
    %add3A_6 = arith.addi %add3A_5, %add3A : i32
    %lt3A_7 = arith.constant 1250 : i32
    %lt3A_8 = arith.cmpi slt, %add3A_6, %lt3A_7 : i32
    %convert_element_type3A_9 = arith.extui %lt3A_8 : i1 to i32
    %cond3A_10 = arith.constant 0 : i32
    %cond3A_11 = arith.cmpi ne, %convert_element_type3A_9, %cond3A_10 : i32
    scf.if %cond3A_11 {
      %mul3A_17 = arith.constant 128 : i32
      %mul3A_18 = arith.muli %add3A_6, %mul3A_17 : i32
      "tpu.region"() ({
        %run_scoped3A = tpu.sem_alloc : memref<!tpu.dma_semaphore, #tpu.memory_space<semaphore_mem>>
        %dma_start3A_26 = tpu.memref_slice %arg2[%mul3A_18] : memref<160000xi32, #tpu.memory_space<hbm>> -> memref<128xi32, #tpu.memory_space<hbm>>
        %dma_start3A_27 = tpu.memref_slice %arg2[%mul3A_18] : memref<160000xi32, #tpu.memory_space<hbm>> -> memref<128xi32, #tpu.memory_space<hbm>>
        tpu.enqueue_dma source(%dma_start3A_27 : memref<128xi32, #tpu.memory_space<hbm>>) target(%arg8 : memref<128xi32, #tpu.memory_space<vmem>>) target_semaphore(%run_scoped3A : memref<!tpu.dma_semaphore, #tpu.memory_space<semaphore_mem>>)
        %dma_wait3A = tpu.memref_slice %arg2[%mul3A_18] : memref<160000xi32, #tpu.memory_space<hbm>> -> memref<128xi32, #tpu.memory_space<hbm>>
        %dma_wait3A_28 = tpu.memref_slice %arg2[%mul3A_18] : memref<160000xi32, #tpu.memory_space<hbm>> -> memref<128xi32, #tpu.memory_space<hbm>>
        tpu.wait_dma2 semaphore(%run_scoped3A : memref<!tpu.dma_semaphore, #tpu.memory_space<semaphore_mem>>) src(%dma_wait3A_28 : memref<128xi32, #tpu.memory_space<hbm>>) dst(%arg8 : memref<128xi32, #tpu.memory_space<vmem>>)
        tpu.yield
      }) : () -> ()
      %mul3A_19 = arith.constant 128 : i32
      %mul3A_20 = arith.muli %add3A_6, %mul3A_19 : i32
      "tpu.region"() ({
        %run_scoped3A = tpu.sem_alloc : memref<!tpu.dma_semaphore, #tpu.memory_space<semaphore_mem>>
        %dma_start3A_26 = tpu.memref_slice %arg3[%mul3A_20] : memref<160000xi32, #tpu.memory_space<hbm>> -> memref<128xi32, #tpu.memory_space<hbm>>
        %dma_start3A_27 = tpu.memref_slice %arg3[%mul3A_20] : memref<160000xi32, #tpu.memory_space<hbm>> -> memref<128xi32, #tpu.memory_space<hbm>>
        tpu.enqueue_dma source(%dma_start3A_27 : memref<128xi32, #tpu.memory_space<hbm>>) target(%arg10 : memref<128xi32, #tpu.memory_space<vmem>>) target_semaphore(%run_scoped3A : memref<!tpu.dma_semaphore, #tpu.memory_space<semaphore_mem>>)
        %dma_wait3A = tpu.memref_slice %arg3[%mul3A_20] : memref<160000xi32, #tpu.memory_space<hbm>> -> memref<128xi32, #tpu.memory_space<hbm>>
        %dma_wait3A_28 = tpu.memref_slice %arg3[%mul3A_20] : memref<160000xi32, #tpu.memory_space<hbm>> -> memref<128xi32, #tpu.memory_space<hbm>>
        tpu.wait_dma2 semaphore(%run_scoped3A : memref<!tpu.dma_semaphore, #tpu.memory_space<semaphore_mem>>) src(%dma_wait3A_28 : memref<128xi32, #tpu.memory_space<hbm>>) dst(%arg10 : memref<128xi32, #tpu.memory_space<vmem>>)
        tpu.yield
      }) : () -> ()
      %dma_start3A = arith.constant 0 : i32
      %dma_start3A_21 = arith.constant 0 : i32
      %dma_start3A_22 = tpu.memref_slice %arg4[%dma_start3A, %dma_start3A_21] : memref<10000x128xf32, #tpu.memory_space<hbm>> -> memref<10000x128xf32, #tpu.memory_space<hbm>>
      tpu.enqueue_indirect_dma source(%dma_start3A_22 : memref<10000x128xf32, #tpu.memory_space<hbm>>) target(%arg12 : memref<128x128xf32, #tpu.memory_space<vmem>>) offsets(%arg8 : memref<128xi32, #tpu.memory_space<vmem>>) semaphore(%arg16 : memref<!tpu.dma_semaphore, #tpu.memory_space<semaphore_mem>>)
      %dma_start3A_23 = arith.constant 0 : i32
      %dma_start3A_24 = arith.constant 0 : i32
      %dma_start3A_25 = tpu.memref_slice %arg4[%dma_start3A_23, %dma_start3A_24] : memref<10000x128xf32, #tpu.memory_space<hbm>> -> memref<10000x128xf32, #tpu.memory_space<hbm>>
      tpu.enqueue_indirect_dma source(%dma_start3A_25 : memref<10000x128xf32, #tpu.memory_space<hbm>>) target(%arg14 : memref<128x128xf32, #tpu.memory_space<vmem>>) offsets(%arg10 : memref<128xi32, #tpu.memory_space<vmem>>) semaphore(%arg16 : memref<!tpu.dma_semaphore, #tpu.memory_space<semaphore_mem>>)
    } else {
    }
    %scan3A = arith.constant 0 : i32
    %scan3A_12 = arith.constant 0 : i32
    %scan3A_13 = arith.constant 20 : i32
    %scan3A_14 = arith.addi %scan3A_12, %scan3A_13 : i32
    %scan3A_15 = arith.constant 1 : i32
    scf.for %scan3A_17 = %scan3A_12 to %scan3A_14 step %scan3A_15  : i32 {
      %mul3A_18 = arith.constant 2 : i32
      %mul3A_19 = arith.muli %mul3A_18, %scan3A_17 : i32
      %add3A_20 = arith.constant 0 : i32
      %add3A_21 = arith.addi %mul3A_19, %add3A_20 : i32
      %mul3A_22 = arith.constant 32 : i32
      %mul3A_23 = arith.muli %add3A_21, %mul3A_22 : i32
      %add3A_24 = arith.addi %mul3A_23, %add3A : i32
      %lt3A_25 = arith.constant 1250 : i32
      %lt3A_26 = arith.cmpi slt, %add3A_24, %lt3A_25 : i32
      %convert_element_type3A_27 = arith.extui %lt3A_26 : i1 to i32
      %cond3A_28 = arith.constant 0 : i32
      %cond3A_29 = arith.cmpi ne, %convert_element_type3A_27, %cond3A_28 : i32
      scf.if %cond3A_29 {
        %mul3A_82 = arith.constant 128 : i32
        %mul3A_83 = arith.muli %add3A_24, %mul3A_82 : i32
        %dma_wait3A = arith.constant 0 : i32
        %dma_wait3A_84 = arith.constant 0 : i32
        %dma_wait3A_85 = tpu.memref_slice %arg4[%dma_wait3A, %dma_wait3A_84] : memref<10000x128xf32, #tpu.memory_space<hbm>> -> memref<10000x128xf32, #tpu.memory_space<hbm>>
        tpu.wait_indirect_dma semaphore(%arg15 : memref<!tpu.dma_semaphore, #tpu.memory_space<semaphore_mem>>) src(%dma_wait3A_85 : memref<10000x128xf32, #tpu.memory_space<hbm>>) dst(%arg11 : memref<128x128xf32, #tpu.memory_space<vmem>>)
        %dma_wait3A_86 = arith.constant 0 : i32
        %dma_wait3A_87 = arith.constant 0 : i32
        %dma_wait3A_88 = tpu.memref_slice %arg4[%dma_wait3A_86, %dma_wait3A_87] : memref<10000x128xf32, #tpu.memory_space<hbm>> -> memref<10000x128xf32, #tpu.memory_space<hbm>>
        tpu.wait_indirect_dma semaphore(%arg15 : memref<!tpu.dma_semaphore, #tpu.memory_space<semaphore_mem>>) src(%dma_wait3A_88 : memref<10000x128xf32, #tpu.memory_space<hbm>>) dst(%arg13 : memref<128x128xf32, #tpu.memory_space<vmem>>)
        %dma_start3A = arith.constant 0 : i32
        %dma_start3A_89 = tpu.memref_slice %arg5[%mul3A_83, %dma_start3A] : memref<160000x128xf32, #tpu.memory_space<hbm>> -> memref<128x128xf32, #tpu.memory_space<hbm>>
        %dma_start3A_90 = arith.constant 0 : i32
        %dma_start3A_91 = tpu.memref_slice %arg5[%mul3A_83, %dma_start3A_90] : memref<160000x128xf32, #tpu.memory_space<hbm>> -> memref<128x128xf32, #tpu.memory_space<hbm>>
        tpu.enqueue_dma source(%arg11 : memref<128x128xf32, #tpu.memory_space<vmem>>) target(%dma_start3A_91 : memref<128x128xf32, #tpu.memory_space<hbm>>) target_semaphore(%arg17 : memref<!tpu.dma_semaphore, #tpu.memory_space<semaphore_mem>>)
        %dma_start3A_92 = arith.constant 0 : i32
        %dma_start3A_93 = tpu.memref_slice %arg6[%mul3A_83, %dma_start3A_92] : memref<160000x128xf32, #tpu.memory_space<hbm>> -> memref<128x128xf32, #tpu.memory_space<hbm>>
        %dma_start3A_94 = arith.constant 0 : i32
        %dma_start3A_95 = tpu.memref_slice %arg6[%mul3A_83, %dma_start3A_94] : memref<160000x128xf32, #tpu.memory_space<hbm>> -> memref<128x128xf32, #tpu.memory_space<hbm>>
        tpu.enqueue_dma source(%arg13 : memref<128x128xf32, #tpu.memory_space<vmem>>) target(%dma_start3A_95 : memref<128x128xf32, #tpu.memory_space<hbm>>) target_semaphore(%arg17 : memref<!tpu.dma_semaphore, #tpu.memory_space<semaphore_mem>>)
      } else {
      }
      %add3A_30 = arith.constant 2 : i32
      %add3A_31 = arith.addi %add3A_21, %add3A_30 : i32
      %mul3A_32 = arith.constant 32 : i32
      %mul3A_33 = arith.muli %add3A_31, %mul3A_32 : i32
      %add3A_34 = arith.addi %mul3A_33, %add3A : i32
      %lt3A_35 = arith.constant 1250 : i32
      %lt3A_36 = arith.cmpi slt, %add3A_34, %lt3A_35 : i32
      %convert_element_type3A_37 = arith.extui %lt3A_36 : i1 to i32
      %cond3A_38 = arith.constant 0 : i32
      %cond3A_39 = arith.cmpi ne, %convert_element_type3A_37, %cond3A_38 : i32
      scf.if %cond3A_39 {
        %mul3A_82 = arith.constant 128 : i32
        %mul3A_83 = arith.muli %add3A_34, %mul3A_82 : i32
        "tpu.region"() ({
          %run_scoped3A = tpu.sem_alloc : memref<!tpu.dma_semaphore, #tpu.memory_space<semaphore_mem>>
          %dma_start3A = tpu.memref_slice %arg2[%mul3A_83] : memref<160000xi32, #tpu.memory_space<hbm>> -> memref<128xi32, #tpu.memory_space<hbm>>
          %dma_start3A_86 = tpu.memref_slice %arg2[%mul3A_83] : memref<160000xi32, #tpu.memory_space<hbm>> -> memref<128xi32, #tpu.memory_space<hbm>>
          tpu.enqueue_dma source(%dma_start3A_86 : memref<128xi32, #tpu.memory_space<hbm>>) target(%arg7 : memref<128xi32, #tpu.memory_space<vmem>>) target_semaphore(%run_scoped3A : memref<!tpu.dma_semaphore, #tpu.memory_space<semaphore_mem>>)
          %dma_wait3A = tpu.memref_slice %arg2[%mul3A_83] : memref<160000xi32, #tpu.memory_space<hbm>> -> memref<128xi32, #tpu.memory_space<hbm>>
          %dma_wait3A_87 = tpu.memref_slice %arg2[%mul3A_83] : memref<160000xi32, #tpu.memory_space<hbm>> -> memref<128xi32, #tpu.memory_space<hbm>>
          tpu.wait_dma2 semaphore(%run_scoped3A : memref<!tpu.dma_semaphore, #tpu.memory_space<semaphore_mem>>) src(%dma_wait3A_87 : memref<128xi32, #tpu.memory_space<hbm>>) dst(%arg7 : memref<128xi32, #tpu.memory_space<vmem>>)
          tpu.yield
        }) : () -> ()
        %mul3A_84 = arith.constant 128 : i32
        %mul3A_85 = arith.muli %add3A_34, %mul3A_84 : i32
        "tpu.region"() ({
          %run_scoped3A = tpu.sem_alloc : memref<!tpu.dma_semaphore, #tpu.memory_space<semaphore_mem>>
          %dma_start3A = tpu.memref_slice %arg3[%mul3A_85] : memref<160000xi32, #tpu.memory_space<hbm>> -> memref<128xi32, #tpu.memory_space<hbm>>
          %dma_start3A_86 = tpu.memref_slice %arg3[%mul3A_85] : memref<160000xi32, #tpu.memory_space<hbm>> -> memref<128xi32, #tpu.memory_space<hbm>>
          tpu.enqueue_dma source(%dma_start3A_86 : memref<128xi32, #tpu.memory_space<hbm>>) target(%arg9 : memref<128xi32, #tpu.memory_space<vmem>>) target_semaphore(%run_scoped3A : memref<!tpu.dma_semaphore, #tpu.memory_space<semaphore_mem>>)
          %dma_wait3A = tpu.memref_slice %arg3[%mul3A_85] : memref<160000xi32, #tpu.memory_space<hbm>> -> memref<128xi32, #tpu.memory_space<hbm>>
          %dma_wait3A_87 = tpu.memref_slice %arg3[%mul3A_85] : memref<160000xi32, #tpu.memory_space<hbm>> -> memref<128xi32, #tpu.memory_space<hbm>>
          tpu.wait_dma2 semaphore(%run_scoped3A : memref<!tpu.dma_semaphore, #tpu.memory_space<semaphore_mem>>) src(%dma_wait3A_87 : memref<128xi32, #tpu.memory_space<hbm>>) dst(%arg9 : memref<128xi32, #tpu.memory_space<vmem>>)
          tpu.yield
        }) : () -> ()
      } else {
      }
      %lt3A_40 = arith.constant 1250 : i32
      %lt3A_41 = arith.cmpi slt, %add3A_24, %lt3A_40 : i32
      %convert_element_type3A_42 = arith.extui %lt3A_41 : i1 to i32
      %cond3A_43 = arith.constant 0 : i32
      %cond3A_44 = arith.cmpi ne, %convert_element_type3A_42, %cond3A_43 : i32
      scf.if %cond3A_44 {
        %mul3A_82 = arith.constant 128 : i32
        %mul3A_83 = arith.muli %add3A_24, %mul3A_82 : i32
        %dma_wait3A = arith.constant 0 : i32
        %dma_wait3A_84 = tpu.memref_slice %arg5[%mul3A_83, %dma_wait3A] : memref<160000x128xf32, #tpu.memory_space<hbm>> -> memref<128x128xf32, #tpu.memory_space<hbm>>
        %dma_wait3A_85 = arith.constant 0 : i32
        %dma_wait3A_86 = tpu.memref_slice %arg5[%mul3A_83, %dma_wait3A_85] : memref<160000x128xf32, #tpu.memory_space<hbm>> -> memref<128x128xf32, #tpu.memory_space<hbm>>
        tpu.wait_dma2 semaphore(%arg17 : memref<!tpu.dma_semaphore, #tpu.memory_space<semaphore_mem>>) src(%arg11 : memref<128x128xf32, #tpu.memory_space<vmem>>) dst(%dma_wait3A_86 : memref<128x128xf32, #tpu.memory_space<hbm>>)
        %dma_wait3A_87 = arith.constant 0 : i32
        %dma_wait3A_88 = tpu.memref_slice %arg6[%mul3A_83, %dma_wait3A_87] : memref<160000x128xf32, #tpu.memory_space<hbm>> -> memref<128x128xf32, #tpu.memory_space<hbm>>
        %dma_wait3A_89 = arith.constant 0 : i32
        %dma_wait3A_90 = tpu.memref_slice %arg6[%mul3A_83, %dma_wait3A_89] : memref<160000x128xf32, #tpu.memory_space<hbm>> -> memref<128x128xf32, #tpu.memory_space<hbm>>
        tpu.wait_dma2 semaphore(%arg17 : memref<!tpu.dma_semaphore, #tpu.memory_space<semaphore_mem>>) src(%arg13 : memref<128x128xf32, #tpu.memory_space<vmem>>) dst(%dma_wait3A_90 : memref<128x128xf32, #tpu.memory_space<hbm>>)
      } else {
      }
      %lt3A_45 = arith.constant 1250 : i32
      %lt3A_46 = arith.cmpi slt, %add3A_34, %lt3A_45 : i32
      %convert_element_type3A_47 = arith.extui %lt3A_46 : i1 to i32
      %cond3A_48 = arith.constant 0 : i32
      %cond3A_49 = arith.cmpi ne, %convert_element_type3A_47, %cond3A_48 : i32
      scf.if %cond3A_49 {
        %dma_start3A = arith.constant 0 : i32
        %dma_start3A_82 = arith.constant 0 : i32
        %dma_start3A_83 = tpu.memref_slice %arg4[%dma_start3A, %dma_start3A_82] : memref<10000x128xf32, #tpu.memory_space<hbm>> -> memref<10000x128xf32, #tpu.memory_space<hbm>>
        tpu.enqueue_indirect_dma source(%dma_start3A_83 : memref<10000x128xf32, #tpu.memory_space<hbm>>) target(%arg11 : memref<128x128xf32, #tpu.memory_space<vmem>>) offsets(%arg7 : memref<128xi32, #tpu.memory_space<vmem>>) semaphore(%arg15 : memref<!tpu.dma_semaphore, #tpu.memory_space<semaphore_mem>>)
        %dma_start3A_84 = arith.constant 0 : i32
        %dma_start3A_85 = arith.constant 0 : i32
        %dma_start3A_86 = tpu.memref_slice %arg4[%dma_start3A_84, %dma_start3A_85] : memref<10000x128xf32, #tpu.memory_space<hbm>> -> memref<10000x128xf32, #tpu.memory_space<hbm>>
        tpu.enqueue_indirect_dma source(%dma_start3A_86 : memref<10000x128xf32, #tpu.memory_space<hbm>>) target(%arg13 : memref<128x128xf32, #tpu.memory_space<vmem>>) offsets(%arg9 : memref<128xi32, #tpu.memory_space<vmem>>) semaphore(%arg15 : memref<!tpu.dma_semaphore, #tpu.memory_space<semaphore_mem>>)
      } else {
      }
      %mul3A_50 = arith.constant 2 : i32
      %mul3A_51 = arith.muli %mul3A_50, %scan3A_17 : i32
      %add3A_52 = arith.constant 1 : i32
      %add3A_53 = arith.addi %mul3A_51, %add3A_52 : i32
      %mul3A_54 = arith.constant 32 : i32
      %mul3A_55 = arith.muli %add3A_53, %mul3A_54 : i32
      %add3A_56 = arith.addi %mul3A_55, %add3A : i32
      %lt3A_57 = arith.constant 1250 : i32
      %lt3A_58 = arith.cmpi slt, %add3A_56, %lt3A_57 : i32
      %convert_element_type3A_59 = arith.extui %lt3A_58 : i1 to i32
      %cond3A_60 = arith.constant 0 : i32
      %cond3A_61 = arith.cmpi ne, %convert_element_type3A_59, %cond3A_60 : i32
      scf.if %cond3A_61 {
        %mul3A_82 = arith.constant 128 : i32
        %mul3A_83 = arith.muli %add3A_56, %mul3A_82 : i32
        %dma_wait3A = arith.constant 0 : i32
        %dma_wait3A_84 = arith.constant 0 : i32
        %dma_wait3A_85 = tpu.memref_slice %arg4[%dma_wait3A, %dma_wait3A_84] : memref<10000x128xf32, #tpu.memory_space<hbm>> -> memref<10000x128xf32, #tpu.memory_space<hbm>>
        tpu.wait_indirect_dma semaphore(%arg16 : memref<!tpu.dma_semaphore, #tpu.memory_space<semaphore_mem>>) src(%dma_wait3A_85 : memref<10000x128xf32, #tpu.memory_space<hbm>>) dst(%arg12 : memref<128x128xf32, #tpu.memory_space<vmem>>)
        %dma_wait3A_86 = arith.constant 0 : i32
        %dma_wait3A_87 = arith.constant 0 : i32
        %dma_wait3A_88 = tpu.memref_slice %arg4[%dma_wait3A_86, %dma_wait3A_87] : memref<10000x128xf32, #tpu.memory_space<hbm>> -> memref<10000x128xf32, #tpu.memory_space<hbm>>
        tpu.wait_indirect_dma semaphore(%arg16 : memref<!tpu.dma_semaphore, #tpu.memory_space<semaphore_mem>>) src(%dma_wait3A_88 : memref<10000x128xf32, #tpu.memory_space<hbm>>) dst(%arg14 : memref<128x128xf32, #tpu.memory_space<vmem>>)
        %dma_start3A = arith.constant 0 : i32
        %dma_start3A_89 = tpu.memref_slice %arg5[%mul3A_83, %dma_start3A] : memref<160000x128xf32, #tpu.memory_space<hbm>> -> memref<128x128xf32, #tpu.memory_space<hbm>>
        %dma_start3A_90 = arith.constant 0 : i32
        %dma_start3A_91 = tpu.memref_slice %arg5[%mul3A_83, %dma_start3A_90] : memref<160000x128xf32, #tpu.memory_space<hbm>> -> memref<128x128xf32, #tpu.memory_space<hbm>>
        tpu.enqueue_dma source(%arg12 : memref<128x128xf32, #tpu.memory_space<vmem>>) target(%dma_start3A_91 : memref<128x128xf32, #tpu.memory_space<hbm>>) target_semaphore(%arg18 : memref<!tpu.dma_semaphore, #tpu.memory_space<semaphore_mem>>)
        %dma_start3A_92 = arith.constant 0 : i32
        %dma_start3A_93 = tpu.memref_slice %arg6[%mul3A_83, %dma_start3A_92] : memref<160000x128xf32, #tpu.memory_space<hbm>> -> memref<128x128xf32, #tpu.memory_space<hbm>>
        %dma_start3A_94 = arith.constant 0 : i32
        %dma_start3A_95 = tpu.memref_slice %arg6[%mul3A_83, %dma_start3A_94] : memref<160000x128xf32, #tpu.memory_space<hbm>> -> memref<128x128xf32, #tpu.memory_space<hbm>>
        tpu.enqueue_dma source(%arg14 : memref<128x128xf32, #tpu.memory_space<vmem>>) target(%dma_start3A_95 : memref<128x128xf32, #tpu.memory_space<hbm>>) target_semaphore(%arg18 : memref<!tpu.dma_semaphore, #tpu.memory_space<semaphore_mem>>)
      } else {
      }
      %add3A_62 = arith.constant 2 : i32
      %add3A_63 = arith.addi %add3A_53, %add3A_62 : i32
      %mul3A_64 = arith.constant 32 : i32
      %mul3A_65 = arith.muli %add3A_63, %mul3A_64 : i32
      %add3A_66 = arith.addi %mul3A_65, %add3A : i32
      %lt3A_67 = arith.constant 1250 : i32
      %lt3A_68 = arith.cmpi slt, %add3A_66, %lt3A_67 : i32
      %convert_element_type3A_69 = arith.extui %lt3A_68 : i1 to i32
      %cond3A_70 = arith.constant 0 : i32
      %cond3A_71 = arith.cmpi ne, %convert_element_type3A_69, %cond3A_70 : i32
      scf.if %cond3A_71 {
        %mul3A_82 = arith.constant 128 : i32
        %mul3A_83 = arith.muli %add3A_66, %mul3A_82 : i32
        "tpu.region"() ({
          %run_scoped3A = tpu.sem_alloc : memref<!tpu.dma_semaphore, #tpu.memory_space<semaphore_mem>>
          %dma_start3A = tpu.memref_slice %arg2[%mul3A_83] : memref<160000xi32, #tpu.memory_space<hbm>> -> memref<128xi32, #tpu.memory_space<hbm>>
          %dma_start3A_86 = tpu.memref_slice %arg2[%mul3A_83] : memref<160000xi32, #tpu.memory_space<hbm>> -> memref<128xi32, #tpu.memory_space<hbm>>
          tpu.enqueue_dma source(%dma_start3A_86 : memref<128xi32, #tpu.memory_space<hbm>>) target(%arg8 : memref<128xi32, #tpu.memory_space<vmem>>) target_semaphore(%run_scoped3A : memref<!tpu.dma_semaphore, #tpu.memory_space<semaphore_mem>>)
          %dma_wait3A = tpu.memref_slice %arg2[%mul3A_83] : memref<160000xi32, #tpu.memory_space<hbm>> -> memref<128xi32, #tpu.memory_space<hbm>>
          %dma_wait3A_87 = tpu.memref_slice %arg2[%mul3A_83] : memref<160000xi32, #tpu.memory_space<hbm>> -> memref<128xi32, #tpu.memory_space<hbm>>
          tpu.wait_dma2 semaphore(%run_scoped3A : memref<!tpu.dma_semaphore, #tpu.memory_space<semaphore_mem>>) src(%dma_wait3A_87 : memref<128xi32, #tpu.memory_space<hbm>>) dst(%arg8 : memref<128xi32, #tpu.memory_space<vmem>>)
          tpu.yield
        }) : () -> ()
        %mul3A_84 = arith.constant 128 : i32
        %mul3A_85 = arith.muli %add3A_66, %mul3A_84 : i32
        "tpu.region"() ({
          %run_scoped3A = tpu.sem_alloc : memref<!tpu.dma_semaphore, #tpu.memory_space<semaphore_mem>>
          %dma_start3A = tpu.memref_slice %arg3[%mul3A_85] : memref<160000xi32, #tpu.memory_space<hbm>> -> memref<128xi32, #tpu.memory_space<hbm>>
          %dma_start3A_86 = tpu.memref_slice %arg3[%mul3A_85] : memref<160000xi32, #tpu.memory_space<hbm>> -> memref<128xi32, #tpu.memory_space<hbm>>
          tpu.enqueue_dma source(%dma_start3A_86 : memref<128xi32, #tpu.memory_space<hbm>>) target(%arg10 : memref<128xi32, #tpu.memory_space<vmem>>) target_semaphore(%run_scoped3A : memref<!tpu.dma_semaphore, #tpu.memory_space<semaphore_mem>>)
          %dma_wait3A = tpu.memref_slice %arg3[%mul3A_85] : memref<160000xi32, #tpu.memory_space<hbm>> -> memref<128xi32, #tpu.memory_space<hbm>>
          %dma_wait3A_87 = tpu.memref_slice %arg3[%mul3A_85] : memref<160000xi32, #tpu.memory_space<hbm>> -> memref<128xi32, #tpu.memory_space<hbm>>
          tpu.wait_dma2 semaphore(%run_scoped3A : memref<!tpu.dma_semaphore, #tpu.memory_space<semaphore_mem>>) src(%dma_wait3A_87 : memref<128xi32, #tpu.memory_space<hbm>>) dst(%arg10 : memref<128xi32, #tpu.memory_space<vmem>>)
          tpu.yield
        }) : () -> ()
      } else {
      }
      %lt3A_72 = arith.constant 1250 : i32
      %lt3A_73 = arith.cmpi slt, %add3A_56, %lt3A_72 : i32
      %convert_element_type3A_74 = arith.extui %lt3A_73 : i1 to i32
      %cond3A_75 = arith.constant 0 : i32
      %cond3A_76 = arith.cmpi ne, %convert_element_type3A_74, %cond3A_75 : i32
      scf.if %cond3A_76 {
        %mul3A_82 = arith.constant 128 : i32
        %mul3A_83 = arith.muli %add3A_56, %mul3A_82 : i32
        %dma_wait3A = arith.constant 0 : i32
        %dma_wait3A_84 = tpu.memref_slice %arg5[%mul3A_83, %dma_wait3A] : memref<160000x128xf32, #tpu.memory_space<hbm>> -> memref<128x128xf32, #tpu.memory_space<hbm>>
        %dma_wait3A_85 = arith.constant 0 : i32
        %dma_wait3A_86 = tpu.memref_slice %arg5[%mul3A_83, %dma_wait3A_85] : memref<160000x128xf32, #tpu.memory_space<hbm>> -> memref<128x128xf32, #tpu.memory_space<hbm>>
        tpu.wait_dma2 semaphore(%arg18 : memref<!tpu.dma_semaphore, #tpu.memory_space<semaphore_mem>>) src(%arg12 : memref<128x128xf32, #tpu.memory_space<vmem>>) dst(%dma_wait3A_86 : memref<128x128xf32, #tpu.memory_space<hbm>>)
        %dma_wait3A_87 = arith.constant 0 : i32
        %dma_wait3A_88 = tpu.memref_slice %arg6[%mul3A_83, %dma_wait3A_87] : memref<160000x128xf32, #tpu.memory_space<hbm>> -> memref<128x128xf32, #tpu.memory_space<hbm>>
        %dma_wait3A_89 = arith.constant 0 : i32
        %dma_wait3A_90 = tpu.memref_slice %arg6[%mul3A_83, %dma_wait3A_89] : memref<160000x128xf32, #tpu.memory_space<hbm>> -> memref<128x128xf32, #tpu.memory_space<hbm>>
        tpu.wait_dma2 semaphore(%arg18 : memref<!tpu.dma_semaphore, #tpu.memory_space<semaphore_mem>>) src(%arg14 : memref<128x128xf32, #tpu.memory_space<vmem>>) dst(%dma_wait3A_90 : memref<128x128xf32, #tpu.memory_space<hbm>>)
      } else {
      }
      %lt3A_77 = arith.constant 1250 : i32
      %lt3A_78 = arith.cmpi slt, %add3A_66, %lt3A_77 : i32
      %convert_element_type3A_79 = arith.extui %lt3A_78 : i1 to i32
      %cond3A_80 = arith.constant 0 : i32
      %cond3A_81 = arith.cmpi ne, %convert_element_type3A_79, %cond3A_80 : i32
      scf.if %cond3A_81 {
        %dma_start3A = arith.constant 0 : i32
        %dma_start3A_82 = arith.constant 0 : i32
        %dma_start3A_83 = tpu.memref_slice %arg4[%dma_start3A, %dma_start3A_82] : memref<10000x128xf32, #tpu.memory_space<hbm>> -> memref<10000x128xf32, #tpu.memory_space<hbm>>
        tpu.enqueue_indirect_dma source(%dma_start3A_83 : memref<10000x128xf32, #tpu.memory_space<hbm>>) target(%arg12 : memref<128x128xf32, #tpu.memory_space<vmem>>) offsets(%arg8 : memref<128xi32, #tpu.memory_space<vmem>>) semaphore(%arg16 : memref<!tpu.dma_semaphore, #tpu.memory_space<semaphore_mem>>)
        %dma_start3A_84 = arith.constant 0 : i32
        %dma_start3A_85 = arith.constant 0 : i32
        %dma_start3A_86 = tpu.memref_slice %arg4[%dma_start3A_84, %dma_start3A_85] : memref<10000x128xf32, #tpu.memory_space<hbm>> -> memref<10000x128xf32, #tpu.memory_space<hbm>>
        tpu.enqueue_indirect_dma source(%dma_start3A_86 : memref<10000x128xf32, #tpu.memory_space<hbm>>) target(%arg14 : memref<128x128xf32, #tpu.memory_space<vmem>>) offsets(%arg10 : memref<128xi32, #tpu.memory_space<vmem>>) semaphore(%arg16 : memref<!tpu.dma_semaphore, #tpu.memory_space<semaphore_mem>>)
      } else {
      }
    }
    %scan3A_16 = arith.constant 20 : i32
    return
  }
}

module attributes {stable_mosaic.version = 14 : i64} {
  func.func @_mlp_body(%arg0: i32, %arg1: memref<2000x128xf32, #tpu.memory_space<vmem>>, %arg2: memref<2000x128xf32, #tpu.memory_space<vmem>>, %arg3: memref<2000x16xf32, #tpu.memory_space<vmem>>, %arg4: memref<128x128xf32, #tpu.memory_space<vmem>>, %arg5: memref<128x128xf32, #tpu.memory_space<vmem>>, %arg6: memref<16x128xf32, #tpu.memory_space<vmem>>, %arg7: memref<1x128xf32, #tpu.memory_space<vmem>>, %arg8: memref<128x128xf32, #tpu.memory_space<vmem>>, %arg9: memref<1x128xf32, #tpu.memory_space<vmem>>, %arg10: memref<128x128xf32, #tpu.memory_space<vmem>>, %arg11: memref<128x128xf32, #tpu.memory_space<vmem>>, %arg12: memref<16x128xf32, #tpu.memory_space<vmem>>, %arg13: memref<1x128xf32, #tpu.memory_space<vmem>>, %arg14: memref<128x128xf32, #tpu.memory_space<vmem>>, %arg15: memref<1x128xf32, #tpu.memory_space<vmem>>, %arg16: memref<2000x128xf32, #tpu.memory_space<vmem>>, %arg17: memref<2000x128xf32, #tpu.memory_space<vmem>>) attributes {dimension_semantics = [#tpu.dimension_semantics<arbitrary>], iteration_bounds = array<i64: 80>, scalar_prefetch = 0 : i64, scratch_operands = 0 : i64, tpu.core_type = #tpu.core_type<tc>, window_params = [{transform_indices = @transform_0, window_bounds = array<i64: 2000, 128>}, {transform_indices = @transform_1, window_bounds = array<i64: 2000, 128>}, {transform_indices = @transform_2, window_bounds = array<i64: 2000, 16>}, {pipeline_mode = #tpu.pipeline_mode<synchronous>, transform_indices = @transform_3, window_bounds = array<i64: 128, 128>}, {pipeline_mode = #tpu.pipeline_mode<synchronous>, transform_indices = @transform_4, window_bounds = array<i64: 128, 128>}, {pipeline_mode = #tpu.pipeline_mode<synchronous>, transform_indices = @transform_5, window_bounds = array<i64: 16, 128>}, {pipeline_mode = #tpu.pipeline_mode<synchronous>, transform_indices = @transform_6, window_bounds = array<i64: 1, 128>}, {pipeline_mode = #tpu.pipeline_mode<synchronous>, transform_indices = @transform_7, window_bounds = array<i64: 128, 128>}, {pipeline_mode = #tpu.pipeline_mode<synchronous>, transform_indices = @transform_8, window_bounds = array<i64: 1, 128>}, {pipeline_mode = #tpu.pipeline_mode<synchronous>, transform_indices = @transform_9, window_bounds = array<i64: 128, 128>}, {pipeline_mode = #tpu.pipeline_mode<synchronous>, transform_indices = @transform_10, window_bounds = array<i64: 128, 128>}, {pipeline_mode = #tpu.pipeline_mode<synchronous>, transform_indices = @transform_11, window_bounds = array<i64: 16, 128>}, {pipeline_mode = #tpu.pipeline_mode<synchronous>, transform_indices = @transform_12, window_bounds = array<i64: 1, 128>}, {pipeline_mode = #tpu.pipeline_mode<synchronous>, transform_indices = @transform_13, window_bounds = array<i64: 128, 128>}, {pipeline_mode = #tpu.pipeline_mode<synchronous>, transform_indices = @transform_14, window_bounds = array<i64: 1, 128>}, {transform_indices = @transform_15, window_bounds = array<i64: 2000, 128>}, {transform_indices = @transform_16, window_bounds = array<i64: 2000, 128>}]} {
    %get3A = arith.constant 0 : index
    %get3A_0 = arith.constant 0 : index
    %get3A_1 = vector.load %arg1[%get3A, %get3A_0] : memref<2000x128xf32, #tpu.memory_space<vmem>>, vector<2000x128xf32>
    %get3A_2 = arith.constant 0 : index
    %get3A_3 = arith.constant 0 : index
    %get3A_4 = vector.load %arg2[%get3A_2, %get3A_3] : memref<2000x128xf32, #tpu.memory_space<vmem>>, vector<2000x128xf32>
    %get3A_5 = arith.constant 0 : index
    %get3A_6 = arith.constant 0 : index
    %get3A_7 = vector.load %arg3[%get3A_5, %get3A_6] : memref<2000x16xf32, #tpu.memory_space<vmem>>, vector<2000x16xf32>
    %get3A_8 = arith.constant 0 : index
    %get3A_9 = arith.constant 0 : index
    %get3A_10 = vector.load %arg4[%get3A_8, %get3A_9] : memref<128x128xf32, #tpu.memory_space<vmem>>, vector<128x128xf32>
    %dot_general3A = arith.constant dense<0.000000e+00> : vector<2000x128xf32>
    %dot_general3A_11 = tpu.matmul %get3A_1, %get3A_10, %dot_general3A {dimension_numbers = #tpu.dot_dimension_numbers<[1], [0], [0], [1], [0, 0, 1, 1], [], []>, transpose_lhs_hint = false} : vector<2000x128xf32>, vector<128x128xf32>, vector<2000x128xf32> -> vector<2000x128xf32>
    %get3A_12 = arith.constant 0 : index
    %get3A_13 = arith.constant 0 : index
    %get3A_14 = vector.load %arg5[%get3A_12, %get3A_13] : memref<128x128xf32, #tpu.memory_space<vmem>>, vector<128x128xf32>
    %dot_general3A_15 = arith.constant dense<0.000000e+00> : vector<2000x128xf32>
    %dot_general3A_16 = tpu.matmul %get3A_4, %get3A_14, %dot_general3A_15 {dimension_numbers = #tpu.dot_dimension_numbers<[1], [0], [0], [1], [0, 0, 1, 1], [], []>, transpose_lhs_hint = false} : vector<2000x128xf32>, vector<128x128xf32>, vector<2000x128xf32> -> vector<2000x128xf32>
    %add3A = arith.addf %dot_general3A_11, %dot_general3A_16 : vector<2000x128xf32>
    %get3A_17 = arith.constant 0 : index
    %get3A_18 = arith.constant 0 : index
    %get3A_19 = vector.load %arg6[%get3A_17, %get3A_18] : memref<16x128xf32, #tpu.memory_space<vmem>>, vector<16x128xf32>
    %dot_general3A_20 = arith.constant dense<0.000000e+00> : vector<2000x128xf32>
    %dot_general3A_21 = tpu.matmul %get3A_7, %get3A_19, %dot_general3A_20 {dimension_numbers = #tpu.dot_dimension_numbers<[1], [0], [0], [1], [0, 0, 1, 1], [], []>, transpose_lhs_hint = false} : vector<2000x16xf32>, vector<16x128xf32>, vector<2000x128xf32> -> vector<2000x128xf32>
    %add3A_22 = arith.addf %add3A, %dot_general3A_21 : vector<2000x128xf32>
    %get3A_23 = arith.constant 0 : index
    %get3A_24 = arith.constant 0 : index
    %get3A_25 = vector.load %arg7[%get3A_23, %get3A_24] : memref<1x128xf32, #tpu.memory_space<vmem>>, vector<1x128xf32>
    %add3A_26 = vector.broadcast %get3A_25 : vector<1x128xf32> to vector<2000x128xf32>
    %add3A_27 = arith.addf %add3A_22, %add3A_26 : vector<2000x128xf32>
    %max3A = arith.constant 0.000000e+00 : f32
    %max3A_28 = vector.broadcast %max3A : f32 to vector<2000x128xf32>
    %max3A_29 = arith.maximumf %add3A_27, %max3A_28 : vector<2000x128xf32>
    %get3A_30 = arith.constant 0 : index
    %get3A_31 = arith.constant 0 : index
    %get3A_32 = vector.load %arg8[%get3A_30, %get3A_31] : memref<128x128xf32, #tpu.memory_space<vmem>>, vector<128x128xf32>
    %dot_general3A_33 = arith.constant dense<0.000000e+00> : vector<2000x128xf32>
    %dot_general3A_34 = tpu.matmul %max3A_29, %get3A_32, %dot_general3A_33 {dimension_numbers = #tpu.dot_dimension_numbers<[1], [0], [0], [1], [0, 0, 1, 1], [], []>, transpose_lhs_hint = false} : vector<2000x128xf32>, vector<128x128xf32>, vector<2000x128xf32> -> vector<2000x128xf32>
    %get3A_35 = arith.constant 0 : index
    %get3A_36 = arith.constant 0 : index
    %get3A_37 = vector.load %arg9[%get3A_35, %get3A_36] : memref<1x128xf32, #tpu.memory_space<vmem>>, vector<1x128xf32>
    %add3A_38 = vector.broadcast %get3A_37 : vector<1x128xf32> to vector<2000x128xf32>
    %add3A_39 = arith.addf %dot_general3A_34, %add3A_38 : vector<2000x128xf32>
    %swap3A = arith.constant 0 : index
    %swap3A_40 = arith.constant 0 : index
    %swap3A_41 = vector.load %arg16[%swap3A, %swap3A_40] : memref<2000x128xf32, #tpu.memory_space<vmem>>, vector<2000x128xf32>
    tpu.vector_store %arg16[%swap3A, %swap3A_40], %add3A_39 {strides = array<i32>} : memref<2000x128xf32, #tpu.memory_space<vmem>>, vector<2000x128xf32>,
    %get3A_42 = arith.constant 0 : index
    %get3A_43 = arith.constant 0 : index
    %get3A_44 = vector.load %arg10[%get3A_42, %get3A_43] : memref<128x128xf32, #tpu.memory_space<vmem>>, vector<128x128xf32>
    %dot_general3A_45 = arith.constant dense<0.000000e+00> : vector<2000x128xf32>
    %dot_general3A_46 = tpu.matmul %get3A_1, %get3A_44, %dot_general3A_45 {dimension_numbers = #tpu.dot_dimension_numbers<[1], [0], [0], [1], [0, 0, 1, 1], [], []>, transpose_lhs_hint = false} : vector<2000x128xf32>, vector<128x128xf32>, vector<2000x128xf32> -> vector<2000x128xf32>
    %get3A_47 = arith.constant 0 : index
    %get3A_48 = arith.constant 0 : index
    %get3A_49 = vector.load %arg11[%get3A_47, %get3A_48] : memref<128x128xf32, #tpu.memory_space<vmem>>, vector<128x128xf32>
    %dot_general3A_50 = arith.constant dense<0.000000e+00> : vector<2000x128xf32>
    %dot_general3A_51 = tpu.matmul %get3A_4, %get3A_49, %dot_general3A_50 {dimension_numbers = #tpu.dot_dimension_numbers<[1], [0], [0], [1], [0, 0, 1, 1], [], []>, transpose_lhs_hint = false} : vector<2000x128xf32>, vector<128x128xf32>, vector<2000x128xf32> -> vector<2000x128xf32>
    %add3A_52 = arith.addf %dot_general3A_46, %dot_general3A_51 : vector<2000x128xf32>
    %get3A_53 = arith.constant 0 : index
    %get3A_54 = arith.constant 0 : index
    %get3A_55 = vector.load %arg12[%get3A_53, %get3A_54] : memref<16x128xf32, #tpu.memory_space<vmem>>, vector<16x128xf32>
    %dot_general3A_56 = arith.constant dense<0.000000e+00> : vector<2000x128xf32>
    %dot_general3A_57 = tpu.matmul %get3A_7, %get3A_55, %dot_general3A_56 {dimension_numbers = #tpu.dot_dimension_numbers<[1], [0], [0], [1], [0, 0, 1, 1], [], []>, transpose_lhs_hint = false} : vector<2000x16xf32>, vector<16x128xf32>, vector<2000x128xf32> -> vector<2000x128xf32>
    %add3A_58 = arith.addf %add3A_52, %dot_general3A_57 : vector<2000x128xf32>
    %get3A_59 = arith.constant 0 : index
    %get3A_60 = arith.constant 0 : index
    %get3A_61 = vector.load %arg13[%get3A_59, %get3A_60] : memref<1x128xf32, #tpu.memory_space<vmem>>, vector<1x128xf32>
    %add3A_62 = vector.broadcast %get3A_61 : vector<1x128xf32> to vector<2000x128xf32>
    %add3A_63 = arith.addf %add3A_58, %add3A_62 : vector<2000x128xf32>
    %max3A_64 = arith.constant 0.000000e+00 : f32
    %max3A_65 = vector.broadcast %max3A_64 : f32 to vector<2000x128xf32>
    %max3A_66 = arith.maximumf %add3A_63, %max3A_65 : vector<2000x128xf32>
    %get3A_67 = arith.constant 0 : index
    %get3A_68 = arith.constant 0 : index
    %get3A_69 = vector.load %arg14[%get3A_67, %get3A_68] : memref<128x128xf32, #tpu.memory_space<vmem>>, vector<128x128xf32>
    %dot_general3A_70 = arith.constant dense<0.000000e+00> : vector<2000x128xf32>
    %dot_general3A_71 = tpu.matmul %max3A_66, %get3A_69, %dot_general3A_70 {dimension_numbers = #tpu.dot_dimension_numbers<[1], [0], [0], [1], [0, 0, 1, 1], [], []>, transpose_lhs_hint = false} : vector<2000x128xf32>, vector<128x128xf32>, vector<2000x128xf32> -> vector<2000x128xf32>
    %get3A_72 = arith.constant 0 : index
    %get3A_73 = arith.constant 0 : index
    %get3A_74 = vector.load %arg15[%get3A_72, %get3A_73] : memref<1x128xf32, #tpu.memory_space<vmem>>, vector<1x128xf32>
    %add3A_75 = vector.broadcast %get3A_74 : vector<1x128xf32> to vector<2000x128xf32>
    %add3A_76 = arith.addf %dot_general3A_71, %add3A_75 : vector<2000x128xf32>
    %max3A_77 = arith.constant 0.000000e+00 : f32
    %max3A_78 = vector.broadcast %max3A_77 : f32 to vector<2000x128xf32>
    %max3A_79 = arith.maximumf %add3A_76, %max3A_78 : vector<2000x128xf32>
    %swap3A_80 = arith.constant 0 : index
    %swap3A_81 = arith.constant 0 : index
    %swap3A_82 = vector.load %arg17[%swap3A_80, %swap3A_81] : memref<2000x128xf32, #tpu.memory_space<vmem>>, vector<2000x128xf32>
    tpu.vector_store %arg17[%swap3A_80, %swap3A_81], %max3A_79 {strides = array<i32>} : memref<2000x128xf32, #tpu.memory_space<vmem>>, vector<2000x128xf32>,
    return
  }
  func.func @transform_0(%arg0: i32) -> (i32, i32) {
    %c0_i32 = arith.constant 0 : i32
    %c0_i32_0 = arith.constant 0 : i32
    return %arg0, %c0_i32 : i32, i32
  }
  func.func @transform_1(%arg0: i32) -> (i32, i32) {
    %c0_i32 = arith.constant 0 : i32
    %c0_i32_0 = arith.constant 0 : i32
    return %arg0, %c0_i32 : i32, i32
  }
  func.func @transform_2(%arg0: i32) -> (i32, i32) {
    %c0_i32 = arith.constant 0 : i32
    %c0_i32_0 = arith.constant 0 : i32
    return %arg0, %c0_i32 : i32, i32
  }
  func.func @transform_3(%arg0: i32) -> (i32, i32) {
    %c0_i32 = arith.constant 0 : i32
    %c0_i32_0 = arith.constant 0 : i32
    %c0_i32_1 = arith.constant 0 : i32
    return %c0_i32, %c0_i32_0 : i32, i32
  }
  func.func @transform_4(%arg0: i32) -> (i32, i32) {
    %c0_i32 = arith.constant 0 : i32
    %c0_i32_0 = arith.constant 0 : i32
    %c0_i32_1 = arith.constant 0 : i32
    return %c0_i32, %c0_i32_0 : i32, i32
  }
  func.func @transform_5(%arg0: i32) -> (i32, i32) {
    %c0_i32 = arith.constant 0 : i32
    %c0_i32_0 = arith.constant 0 : i32
    %c0_i32_1 = arith.constant 0 : i32
    return %c0_i32, %c0_i32_0 : i32, i32
  }
  func.func @transform_6(%arg0: i32) -> (i32, i32) {
    %c0_i32 = arith.constant 0 : i32
    %c0_i32_0 = arith.constant 0 : i32
    %c0_i32_1 = arith.constant 0 : i32
    return %c0_i32, %c0_i32_0 : i32, i32
  }
  func.func @transform_7(%arg0: i32) -> (i32, i32) {
    %c0_i32 = arith.constant 0 : i32
    %c0_i32_0 = arith.constant 0 : i32
    %c0_i32_1 = arith.constant 0 : i32
    return %c0_i32, %c0_i32_0 : i32, i32
  }
  func.func @transform_8(%arg0: i32) -> (i32, i32) {
    %c0_i32 = arith.constant 0 : i32
    %c0_i32_0 = arith.constant 0 : i32
    %c0_i32_1 = arith.constant 0 : i32
    return %c0_i32, %c0_i32_0 : i32, i32
  }
  func.func @transform_9(%arg0: i32) -> (i32, i32) {
    %c0_i32 = arith.constant 0 : i32
    %c0_i32_0 = arith.constant 0 : i32
    %c0_i32_1 = arith.constant 0 : i32
    return %c0_i32, %c0_i32_0 : i32, i32
  }
  func.func @transform_10(%arg0: i32) -> (i32, i32) {
    %c0_i32 = arith.constant 0 : i32
    %c0_i32_0 = arith.constant 0 : i32
    %c0_i32_1 = arith.constant 0 : i32
    return %c0_i32, %c0_i32_0 : i32, i32
  }
  func.func @transform_11(%arg0: i32) -> (i32, i32) {
    %c0_i32 = arith.constant 0 : i32
    %c0_i32_0 = arith.constant 0 : i32
    %c0_i32_1 = arith.constant 0 : i32
    return %c0_i32, %c0_i32_0 : i32, i32
  }
  func.func @transform_12(%arg0: i32) -> (i32, i32) {
    %c0_i32 = arith.constant 0 : i32
    %c0_i32_0 = arith.constant 0 : i32
    %c0_i32_1 = arith.constant 0 : i32
    return %c0_i32, %c0_i32_0 : i32, i32
  }
  func.func @transform_13(%arg0: i32) -> (i32, i32) {
    %c0_i32 = arith.constant 0 : i32
    %c0_i32_0 = arith.constant 0 : i32
    %c0_i32_1 = arith.constant 0 : i32
    return %c0_i32, %c0_i32_0 : i32, i32
  }
  func.func @transform_14(%arg0: i32) -> (i32, i32) {
    %c0_i32 = arith.constant 0 : i32
    %c0_i32_0 = arith.constant 0 : i32
    %c0_i32_1 = arith.constant 0 : i32
    return %c0_i32, %c0_i32_0 : i32, i32
  }
  func.func @transform_15(%arg0: i32) -> (i32, i32) {
    %c0_i32 = arith.constant 0 : i32
    %c0_i32_0 = arith.constant 0 : i32
    return %arg0, %c0_i32 : i32, i32
  }
  func.func @transform_16(%arg0: i32) -> (i32, i32) {
    %c0_i32 = arith.constant 0 : i32
    %c0_i32_0 = arith.constant 0 : i32
    return %arg0, %c0_i32 : i32, i32
  }
}

module attributes {stable_mosaic.version = 14 : i64} {
  func.func @_fin_body(%arg0: i32, %arg1: memref<2x1000x128xf32, #tpu.memory_space<vmem>>, %arg2: memref<1000x128xf32, #tpu.memory_space<vmem>>) attributes {dimension_semantics = [#tpu.dimension_semantics<arbitrary>], iteration_bounds = array<i64: 10>, scalar_prefetch = 0 : i64, scratch_operands = 0 : i64, tpu.core_type = #tpu.core_type<tc>, window_params = [{transform_indices = @transform_0, window_bounds = array<i64: 2, 1000, 128>}, {transform_indices = @transform_1, window_bounds = array<i64: 1000, 128>}]} {
    %get3A = arith.constant 0 : index
    %get3A_0 = arith.constant 0 : index
    %get3A_1 = arith.constant 0 : index
    %get3A_2 = vector.load %arg1[%get3A, %get3A_0, %get3A_1] : memref<2x1000x128xf32, #tpu.memory_space<vmem>>, vector<1x1000x128xf32>
    %get3A_3 = vector.shape_cast %get3A_2 : vector<1x1000x128xf32> to vector<1000x128xf32>
    %get3A_4 = arith.constant 1 : index
    %get3A_5 = arith.constant 0 : index
    %get3A_6 = arith.constant 0 : index
    %get3A_7 = vector.load %arg1[%get3A_4, %get3A_5, %get3A_6] : memref<2x1000x128xf32, #tpu.memory_space<vmem>>, vector<1x1000x128xf32>
    %get3A_8 = vector.shape_cast %get3A_7 : vector<1x1000x128xf32> to vector<1000x128xf32>
    %add3A = arith.addf %get3A_3, %get3A_8 : vector<1000x128xf32>
    %mul3A = arith.constant 9.99999974E-5 : f32
    %mul3A_9 = vector.broadcast %mul3A : f32 to vector<1000x128xf32>
    %mul3A_10 = arith.mulf %add3A, %mul3A_9 : vector<1000x128xf32>
    %max3A = arith.constant 0.000000e+00 : f32
    %max3A_11 = vector.broadcast %max3A : f32 to vector<1000x128xf32>
    %max3A_12 = arith.maximumf %mul3A_10, %max3A_11 : vector<1000x128xf32>
    %swap3A = arith.constant 0 : index
    %swap3A_13 = arith.constant 0 : index
    %swap3A_14 = vector.load %arg2[%swap3A, %swap3A_13] : memref<1000x128xf32, #tpu.memory_space<vmem>>, vector<1000x128xf32>
    tpu.vector_store %arg2[%swap3A, %swap3A_13], %max3A_12 {strides = array<i32>} : memref<1000x128xf32, #tpu.memory_space<vmem>>, vector<1000x128xf32>,
    return
  }
  func.func @transform_0(%arg0: i32) -> (i32, i32, i32) {
    %c0_i32 = arith.constant 0 : i32
    %c0_i32_0 = arith.constant 0 : i32
    %c0_i32_1 = arith.constant 0 : i32
    return %c0_i32, %arg0, %c0_i32_0 : i32, i32, i32
  }
  func.func @transform_1(%arg0: i32) -> (i32, i32) {
    %c0_i32 = arith.constant 0 : i32
    %c0_i32_0 = arith.constant 0 : i32
    return %arg0, %c0_i32 : i32, i32
  }
}

</mosaic_0001>

<sc_bundles>
// kernel: kernel.6.cloned.1.call-start
scs
__scs_entry_jumppad:
0x0: {  	(pc) =	sbr.rel $0x88, $3  }
0x1: {  	(tag) =	ssettag $0x0;
	lr =	simm.s32 $0x1  }
0x2: {  	[smem:$0x3F96] =	sst lr;
	_ =	strace $0xD0000000  }
0x3: {  	_ = 	snop  }
0x4: {  	_ = 	snop  }
0x5: {  	_ = 	snop  }
0x6: {  	_ = 	snop  }
0x7: {  	_ = 	snop  }
__scs_overlays_trampoline_lowered:
0x8: {  	[smem:$0x3FA5] =	sst s0  }
0x9: {  	[smem:$0x3FA6] =	sst s1  }
0xa: {  	[smem:$0x3FA7] =	sst s2  }
0xb: {  	[smem:$0x3FA8] =	sst s3  }
0xc: {  	[smem:$0x3FA9] =	sst s4  }
0xd: {  	[smem:$0x3FAA] =	sst s5  }
0xe: {  	[smem:$0x3FAB] =	sst s6  }
0xf: {  	[smem:$0x3FAC] =	sst s7  }
0x10: {  	[smem:$0x3FAD] =	sst s8  }
0x11: {  	[smem:$0x3FAE] =	sst s9;
	s0 =	simm.s32 @!p0 $0x0  }
0x12: {  	s1 =	sld [smem:$0x3F94];
	s0 =	simm.s32 @p0 $0x1  }
0x13: {  	[smem:$0x3FAF] =	sst s0;
	s0 =	simm.s32 @!p1 $0x0  }
0x14: {  	s2 =	sld [smem:$0x3F93];
	s0 =	simm.s32 @p1 $0x1  }
0x15: {  	[smem:$0x3FB0] =	sst s0;
	s0 =	simm.s32 @!p2 $0x0  }
0x16: {  	s3 =	sld [smem:$0x3FDB];
	s0 =	simm.s32 @p2 $0x1  }
0x17: {  	s4 =	simm.s32 $0x1BF5;
	[smem:$0x3FB2] =	sst s0  }
0x18: {  	s0 =	sld [smem:$0x3F95];
	_ =	swait.ge [sflag:s4], $0x0  }
0x19: {  	s7 =	sld [smem:$0x3F96]  }
0x1a: {  	s8 =	sadd.s32 $0xFFFFE003, lr  }
0x1b: {  	s9 =	sadd.s32 $0xFFFFFEF7, lr;
	s5 =	simm.s32 $0xFFFFFFFF;
	p2 =	slt.u32 s8, $0xFFFFF086  }
0x1c: {  	p1 =	slt.u32 s9, $0xF7A;
	s5 =	simm.s32 @!p2 $0x0  }
0x1d: {  	s5 =	simm.s32 @p1 $0x1;
	p0 =	seq.s32 s7, s2  }
0x1e: {  	s7 =	smul.u32 @!p0 $0xF7A, s2;
	p2 =	seq.s32 @!p0 s5, $0x0  }
0x1f: {  	s9 =	smul.u32 $0xF7A, s1;
	s8 =	simm.s32 @!p0 $0x1BF5;
	p2 =	por !p2, p0  }
0x20: {  	[sflag:s8] =	ssyncset.s32 @!p0 $0xFFFFF086;
	s6 =	sadd.s32 @!p0 s3, s7;
	s7 =	simm.s32 @!p0 $0x108  }
0x21: {  	s3 =	sadd.s32 s3, s9;
	s6 =	sadd.s32 @!p0 $0x88, s6;
	s7 =	simm.s32 @p2 $0x1082  }
0x22: {  	[simem:s7], [sflag:s8] =	dma.local @!p0 [hbm:s6], $0xF7A  }
0x23: {  	s9 =	sor.u32 $0xD0000000, s2;
	s6 =	simm.s32 $0x108;
	_ =	swait.ge @!p0 [sflag:s8], $0x0  }
0x24: {  	s3 =	sadd.s32 $0x88, s3;
	s6 =	simm.s32 @!p1 $0x1082;
	[sflag:s4] =	ssyncset.s32 $0xFFFFF086  }
0x25: {  	[simem:s6], [sflag:s4] =	dma.local [hbm:s3], $0xF7A  }
0x26: {  	[smem:$0x3F96] =	sst s1;
	(tag) =	ssettag s2;
	_ =	strace s9  }
0x27: {  	s1 =	sld [smem:$0x3FA6]  }
0x28: {  	s2 =	sld [smem:$0x3FA7]  }
0x29: {  	s4 =	sld [smem:$0x3FA9]  }
0x2a: {  	p0 =	seq.s32 s5, $0x0;
	s5 =	sld [smem:$0x3FAA]  }
0x2b: {  	s6 =	sld [smem:$0x3FAB]  }
0x2c: {  	s7 =	sld [smem:$0x3FAC]  }
0x2d: {  	s3 =	simm.s32 $0x108;
	s8 =	sld [smem:$0x3FAD]  }
0x2e: {  	s3 =	simm.s32 @!p0 $0x1082;
	s9 =	sld [smem:$0x3FAE]  }
0x2f: {  	lr =	sadd.s32 s0, s3;
	s0 =	sld [smem:$0x3FA5]  }
0x30: {  	s3 =	sld [smem:$0x3FA8]  }
0x31: {  	[smem:$0x3FB1] =	sst s10  }
0x32: {  	s10 =	sld [smem:$0x3FAF];
	_ =	sdelay $0x3  }
0x33: {  	p0 =	seq.s32 s10, $0x1;
	s10 =	sld [smem:$0x3FB1];
	_ =	sdelay $0x3  }
0x34: {  	[smem:$0x3FB1] =	sst s10  }
0x35: {  	s10 =	sld [smem:$0x3FB0];
	_ =	sdelay $0x3  }
0x36: {  	p1 =	seq.s32 s10, $0x1;
	s10 =	sld [smem:$0x3FB1];
	_ =	sdelay $0x3  }
0x37: {  	[smem:$0x3FB1] =	sst s10  }
0x38: {  	s10 =	sld [smem:$0x3FB2]  }
0x39: {  	_ = 	snop;
	(pc) =	sbr.ind lr, $3  }
0x3a: {  	_ = 	snop  }
0x3b: {  	_ = 	snop  }
0x3c: {  	p2 =	seq.s32 s10, $0x1;
	s10 =	sld [smem:$0x3FB1]  }
0x3d: {  	_ =	shalt  }
0x3e: {  	_ =	shalt  }
0x3f: {  	_ =	shalt  }
0x40: {  	_ =	shalt  }
0x41: {  	_ =	shalt  }
0x42: {  	_ =	shalt  }
0x43: {  	_ =	shalt  }
0x44: {  	_ =	shalt  }
0x45: {  	_ =	shalt  }
0x46: {  	_ =	shalt  }
0x47: {  	_ =	shalt  }
0x48: {  	_ =	shalt  }
0x49: {  	_ =	shalt  }
0x4a: {  	_ =	shalt  }
0x4b: {  	_ =	shalt  }
0x4c: {  	_ =	shalt  }
0x4d: {  	_ =	shalt  }
0x4e: {  	_ =	shalt  }
0x4f: {  	_ =	shalt  }
0x50: {  	_ =	shalt  }
0x51: {  	_ =	shalt  }
0x52: {  	_ =	shalt  }
0x53: {  	_ =	shalt  }
0x54: {  	_ =	shalt  }
0x55: {  	_ =	shalt  }
0x56: {  	_ =	shalt  }
0x57: {  	_ =	shalt  }
0x58: {  	_ =	shalt  }
0x59: {  	_ =	shalt  }
0x5a: {  	_ =	shalt  }
0x5b: {  	_ =	shalt  }
0x5c: {  	_ =	shalt  }
0x5d: {  	_ =	shalt  }
0x5e: {  	_ =	shalt  }
0x5f: {  	_ =	shalt  }
0x60: {  	_ =	shalt  }
0x61: {  	_ =	shalt  }
0x62: {  	_ =	shalt  }
0x63: {  	_ =	shalt  }
0x64: {  	_ =	shalt  }
0x65: {  	_ =	shalt  }
0x66: {  	_ =	shalt  }
0x67: {  	_ =	shalt  }
0x68: {  	_ =	shalt  }
0x69: {  	_ =	shalt  }
0x6a: {  	_ =	shalt  }
0x6b: {  	_ =	shalt  }
0x6c: {  	_ =	shalt  }
0x6d: {  	_ =	shalt  }
0x6e: {  	_ =	shalt  }
0x6f: {  	_ =	shalt  }
0x70: {  	_ =	shalt  }
0x71: {  	_ =	shalt  }
0x72: {  	_ =	shalt  }
0x73: {  	_ =	shalt  }
0x74: {  	_ =	shalt  }
0x75: {  	_ =	shalt  }
0x76: {  	_ =	shalt  }
0x77: {  	_ =	shalt  }
0x78: {  	_ =	shalt  }
0x79: {  	_ =	shalt  }
0x7a: {  	_ =	shalt  }
0x7b: {  	_ =	shalt  }
0x7c: {  	_ =	shalt  }
0x7d: {  	_ =	shalt  }
0x7e: {  	_ =	shalt  }
0x7f: {  	_ =	shalt  }
0x80: {  	_ =	shalt  }
0x81: {  	_ =	shalt  }
0x82: {  	_ =	shalt  }
0x83: {  	_ =	shalt  }
0x84: {  	_ =	shalt  }
0x85: {  	_ =	shalt  }
0x86: {  	_ =	shalt  }
0x87: {  	_ =	shalt  }
.Lfunc_end0:
.L_simem_size_0:
called_computation_lowered:
.L_overlay_start_0:
0x88: {  	s2 =	sld [smem:$0x3FD9]  }
0x89: {  	s3 =	sld [smem:$0x3FFE];
	_ =	sdelay $0x1  }
0x8a: {  	s1 =	srdreg.scid  }
0x8b: {  	s0 =	sand.u32 $0x1, s1  }
0x8c: {  	s14 =	sshll.u32 s0, $0xA;
	s2 =	sadd.s32 s3, s2  }
0x8d: {  	s2 =	sadd.s32 s2, s14  }
0x8e: {  	[smem:$0x3FBD] =	sst s2  }
0x8f: {  	_ = 	snop  }
0x90: {  	s2 =	sld [smem:$0x3FD0];
	_ =	sdelay $0x2  }
0x91: {  	s4 =	simm.s32 $0xA;
	s5 =	simm.s32 $0x10;
	s15 =	sld [smem:$0x3FC9]  }
0x92: {  	[smem:s5], [sflag:s4] =	dma.local [hbm:s2], $0x1  }
0x93: {  	_ =	swait.eq [sflag:s4], $0x1  }
0x94: {  	[sflag:s4] =	ssyncset.done $0x0  }
0x95: {  	[sflag:s4] =	ssyncadd.s32 $0xFFFFFFFF  }
0x96: {  	s16 =	sld [smem:$0x10];
	(tm) =	ssettm $0x1  }
0x97: {  	s17 =	sld [smem:$0x3FFB];
	_ =	sdelay $0x3  }
0x98: {  	_ =	strace s17  }
0x99: {  	s4 =	sld [smem:$0x3FFC];
	_ =	sdelay $0x3  }
0x9a: {  	_ =	strace s4  }
0x9b: {  	s4 =	sld [smem:$0x3FFD];
	_ =	sdelay $0x3  }
0x9c: {  	_ =	strace s4  }
0x9d: {  	_ =	strace $0x8FFFFFFF  }
0x9e: {  	s18 =	sld [smem:$0x3FDB];
	_ =	sdelay $0x1  }
0x9f: {  	s19 =	simm.s32 $_scs_section_size  }
0xa0: {  	s6 =	simm.s32 $_size__tile_overlayer_lowered;
	s7 =	simm.s32 $_tile_overlayer_lowered  }
0xa1: {  	s22 =	simm.s32 $0x1BFF;
	s21 =	sshll.u32 s7, $0x1;
	s4 =	sadd.s32 s19, s18  }
0xa2: {  	s8 =	simm.s32 $0x0;
	s20 =	sshll.u32 s6, $0x1;
	s6 =	sadd.s32 s21, s4  }
0xa3: {  	[timem:s8], [sflag:s22] =	dma.local [hbm:s6], s20  }
0xa4: {  	_ =	swait.ge [sflag:s22], s20  }
0xa5: {  	s5 =	ssub.s32 $0x0, s20;
	[sflag:s22] =	ssyncset.done $0x0  }
0xa6: {  	[sflag:s22] =	ssyncadd.s32 s5;
	_ =	sdelay $0x1  }
0xa7: {  	s23 =	simm.s32 $0x1B8B  }
0xa8: {  	_ =	swait.ge [sflag:s23], $0x1  }
0xa9: {  	[sflag:s23] =	ssyncset.done $0x0  }
0xaa: {  	s25 =	simm.s32 $0x1B8E;
	s24 =	sld [smem:$0x3FFE];
	[sflag:s23] =	ssyncadd.s32 $0xFFFFFFFF  }
0xab: {  	s26 =	simm.s32 $execute0_lowered;
	[smem:$0x3FD2] =	sst s25  }
0xac: {  	s6 =	sshll.u32 s26, $0x1;
	_ =	strace $0x80000046;
	[dreg:$0x1] =	wrdreg $0xFFFFFFFF  }
0xad: {  	s28 =	simm.s32 $_size_execute0_lowered;
	s4 =	sadd.s32 s4, s6;
	[dreg:$0x0] =	wrdreg $0x0  }
0xae: {  	s6 =	sshll.u32 s28, $0x1;
	[dreg:$0x2] =	wrdreg s4  }
0xaf: {  	[dreg:$0x3] =	wrdreg s6  }
0xb0: {  	[dreg:$0x4] =	wrdreg $0xC0  }
0xb1: {  	_ =	task [dreg:s8], $0x5FFFF  }
0xb2: {  	[dreg:$0x1] =	wrdreg $0xFFFFFFFF  }
0xb3: {  	[dreg:$0x0] =	wrdreg $0x60  }
0xb4: {  	[dreg:$0x2] =	wrdreg s16  }
0xb5: {  	[dreg:$0x3] =	wrdreg s24  }
0xb6: {  	[dreg:$0x4] =	wrdreg s15  }
0xb7: {  	[dreg:$0x5] =	wrdreg $0x9  }
0xb8: {  	_ =	task.clear_ibuf [dreg:s8], $0x6FFFF;
	_ =	strace $0x90000046  }
0xb9: {  	s29 =	simm.s32 $0x9;
	_ =	strace $0x80000048  }
0xba: {  	_ =	swait.ge [sflag:s29], $0x1  }
0xbb: {  	[sflag:s29] =	ssyncadd.s32 $0xFFFFFFFF  }
0xbc: {  	_ =	strace $0x90000048  }
0xbd: {  	_ =	sfence  }
0xbe: {  	s30 =	sld [smem:$0x0];
	_ =	sdelay $0x2  }
0xbf: {  	s31 =	sshll.u32 s1, $0xD;
	s1 =	sshrl.u32 s1, $0x2  }
0xc0: {  	s3 =	sand.u32 $0x4000, s31;
	s1 =	sadd.s32 s1, s30  }
0xc1: {  	s0 =	sor.u32 s3, s0;
	s1 =	sshll.u32 s1, $0x11  }
0xc2: {  	s0 =	sor.u32 s1, s0  }
0xc3: {  	s0 =	sadd.s32 $0x8F2B, s0  }
0xc4: {  	[sflag:s0] =	ssyncadd.remote.s32 $0x1  }
0xc5: {  	_ =	sfence.sel $0xFFFF  }
0xc6: {  	[dreg:$0x0] =	wrdreg $0xFFFFFFFF;
	(pc) =	sbr.abs _section_cstart, $3  }
0xc7: {  	[dreg:$0x1] =	wrdreg $0xFFFFFFFF  }
0xc8: {  	_ =	task.clear_ibuf [dreg:s8], $0x2FFFF;
	_ =	strace $0x9FFFFFFF  }
0xc9: {  	(tm) =	ssettm $0x7FFFFFFF  }
tec
execute0_lowered:
.L_overlay_start_1:
0x0: {  	(tag) =	ssettag $0x1  }
0x1: {  	s0 =	rddreg [dreg:$0x0]  }
0x2: {  	s3 =	rddreg [dreg:$0x1]  }
0x3: {  	s1 =	rddreg [dreg:$0x2];
	s2 =	simm.s32 $0x0;
	s4 =	srdreg.scid  }
0x4: {  	s14 =	stileid.u32;
	s15 =	simm.s32 $0x5;
	s16 =	simm.s32 $0x100  }
0x5: {  	s17 =	simm.s32 $0x80;
	s18 =	simm.s32 $0x200;
	s19 =	simm.s32 $0x8200  }
0x6: {  	s20 =	simm.s32 $0x180;
	s23 =	simm.s32 $0x1;
	s24 =	simm.s32 $0x0  }
0x7: {  	[smem:$0x7FF] =	sst s2;
	s7 =	sand.u32 $0x1, s4;
	s8 =	sadd.s32 $0x2600, s3  }
0x8: {  	s13 =	sshll.u32 s14, $0x4;
	_ =	strace $0x80000047;
	s4 =	sshll.u32 s7, $0x4  }
0x9: {  	s5 =	sshll.u32 s7, $0xF;
	s6 =	ssub.s32 $0x2, s7;
	s11 =	sor.u32 s14, s4  }
0xa: {  	s12 =	sshll.u32 s7, $0x8;
	s3 =	sadd.s32 s5, s3;
	s28 =	sshll.u32 s11, $0x4  }
0xb: {  	s26 =	sshrl.u32 s6, $0x1;
	s31 =	sadd.s32 s12, s8;
	s29 =	sadd.s32 s0, s28  }
0xc: {  	s9 =	ssub.s32 s6, s26;
	s30 =	sadd.s32 s8, s28;
	[dreg:$0x4] =	wrdreg s29  }
0xd: {  	s11 =	sor.u32 $0x60, s11;
	s10 =	sor.u32 $0x200, s28;
	[dreg:$0x5] =	wrdreg s30  }
0xe: {  	s6 =	sadd.s32 s0, s10;
	s7 =	sadd.s32 s8, s10;
	s8 =	smax.u32 s9, $0x1  }
0xf: {  	s9 =	sadd.s32 s13, s31;
	s0 =	sadd.s32 s12, s0;
	s12 =	sshll.u32 s14, $0xB  }
0x10: {  	s14 =	sadd.s32 $0x7600, s3;
	s10 =	sadd.s32 s13, s0;
	s13 =	sadd.s32 $0x278600, s3  }
.LBB2_1:
0x11: {  	s0 =	rddreg [dreg:$0x4]  }
0x12: {  	[tilespmem:s2], [sflag:$0x5] =	stream.linear.gather [hbm4b:s0+s2], $0x80, $0x38;
	[tilespmem:$0x10200] =	vst v63  }
0x13: {  	_ =	swait.ge [sflag:s15], $0x80  }
0x14: {  	[sflag:s15] =	ssyncset.done $0x0  }
0x15: {  	s5 =	rddreg [dreg:$0x5];
	[sflag:s15] =	ssyncadd.s32 $0xFFFFFF80  }
0x16: {  	[tilespmem:s16], [sflag:$0x5] =	stream.linear.gather [hbm4b:s5+s2], $0x80, $0x38;
	[tilespmem:$0x10200] =	vst v63  }
0x17: {  	_ =	swait.ge [sflag:s15], $0x80  }
0x18: {  	[sflag:s15] =	ssyncset.done $0x0  }
0x19: {  	[sflag:s15] =	ssyncadd.s32 $0xFFFFFF80  }
0x1a: {  	[tilespmem:s18], [sflag:$0x1] =	stream.indirect.gather [hbm4b:s1+s17], $0x80, s2, s17, $0xb8;
	[tilespmem:$0x10200] =	vst v63  }
0x1b: {  	_ = 	snop  }
0x1c: {  	[tilespmem:s19], [sflag:$0x1] =	stream.indirect.gather [hbm4b:s1+s17], $0x80, s16, s17, $0xb8;
	[tilespmem:$0x10200] =	vst v63  }
0x1d: {  	_ = 	snop  }
0x1e: {  	[tilespmem:s17], [sflag:$0x5] =	stream.linear.gather [hbm4b:s6+s2], $0x80, $0x38;
	[tilespmem:$0x10200] =	vst v63  }
0x1f: {  	_ =	swait.ge [sflag:s15], $0x80  }
0x20: {  	[sflag:s15] =	ssyncset.done $0x0  }
0x21: {  	[sflag:s15] =	ssyncadd.s32 $0xFFFFFF80  }
0x22: {  	[tilespmem:s20], [sflag:$0x5] =	stream.linear.gather [hbm4b:s7+s2], $0x80, $0x38;
	[tilespmem:$0x10200] =	vst v63  }
0x23: {  	_ =	swait.ge [sflag:s15], $0x80  }
0x24: {  	[sflag:s15] =	ssyncset.done $0x0  }
0x25: {  	s21 =	simm.s32 $0x4200;
	[sflag:s15] =	ssyncadd.s32 $0xFFFFFF80  }
0x26: {  	[tilespmem:s21], [sflag:$0x2] =	stream.indirect.gather [hbm4b:s1+s17], $0x80, s17, s17, $0xb8;
	[tilespmem:$0x10200] =	vst v63  }
0x27: {  	s22 =	simm.s32 $0xC200  }
0x28: {  	[tilespmem:s22], [sflag:$0x2] =	stream.indirect.gather [hbm4b:s1+s17], $0x80, s20, s17, $0xb8;
	[tilespmem:$0x10200] =	vst v63  }
0x29: {  	_ =	swait.ge [sflag:s23], $0x4000  }
0x2a: {  	[sflag:s23] =	ssyncset.done $0x0  }
0x2b: {  	[sflag:s23] =	ssyncadd.s32 $0xFFFFC000  }
0x2c: {  	_ =	swait.ge [sflag:s23], $0x4000  }
0x2d: {  	s25 =	sadd.s32 $0xFFFFFFE0, s11;
	[sflag:s23] =	ssyncset.done $0x0  }
0x2e: {  	s3 =	sadd.s32 s14, s12;
	p0 =	sgt.u32 s25, $0x4E1;
	[sflag:s23] =	ssyncadd.s32 $0xFFFFC000  }
0x2f: {  	[hbm4b:s3+s2] =	stream.linear.scatter [tilespmem:s18], [sflag:$0x3], $0x4000, $0x38;
	[tilespmem:$0x10200] =	vst v63  }
0x30: {  	s26 =	sadd.s32 s13, s12;
	s3 =	simm.s32 @p0 $0x3  }
0x31: {  	[hbm4b:s26+s2] =	stream.linear.scatter [tilespmem:s19], [sflag:$0x3], $0x4000, $0x38;
	[tilespmem:$0x10200] =	vst v63  }
0x32: {  	_ =	swait.ge @p0 [sflag:s3], $0x4000  }
0x33: {  	[sflag:s3] =	ssyncset.done @p0 $0x0  }
0x34: {  	[sflag:s3] =	ssyncadd.s32 @p0 $0xFFFFC000  }
0x35: {  	_ =	swait.ge @p0 [sflag:s3], $0x4000  }
0x36: {  	s0 =	sadd.s32 @!p0 $0x0, s10;
	s25 =	simm.s32 @!p0 $0x0;
	[sflag:s3] =	ssyncset.done @p0 $0x0  }
0x37: {  	s0 =	sadd.s32 @!p0 $0x400, s0;
	s26 =	simm.s32 @!p0 $0x5;
	[sflag:s3] =	ssyncadd.s32 @p0 $0xFFFFC000  }
0x38: {  	[tilespmem:s25], [sflag:$0x5] =	stream.linear.gather @!p0 [hbm4b:s0+s25], $0x80, $0x38;
	[tilespmem:$0x10200] =	vst v63  }
0x39: {  	_ =	swait.ge @!p0 [sflag:s26], $0x80  }
0x3a: {  	s0 =	sadd.s32 @!p0 $0x0, s9;
	[sflag:s26] =	ssyncset.done @!p0 $0x0  }
0x3b: {  	s3 =	simm.s32 @!p0 $0x100;
	s0 =	sadd.s32 @!p0 $0x400, s0;
	[sflag:s26] =	ssyncadd.s32 @!p0 $0xFFFFFF80  }
0x3c: {  	[tilespmem:s3], [sflag:$0x5] =	stream.linear.gather @!p0 [hbm4b:s0+s25], $0x80, $0x38;
	[tilespmem:$0x10200] =	vst v63  }
0x3d: {  	_ =	swait.ge @!p0 [sflag:s26], $0x80  }
0x3e: {  	[sflag:s26] =	ssyncset.done @!p0 $0x0  }
0x3f: {  	s0 =	simm.s32 @!p0 $0x3;
	[sflag:s26] =	ssyncadd.s32 @!p0 $0xFFFFFF80  }
0x40: {  	_ =	swait.ge @!p0 [sflag:s0], $0x4000  }
0x41: {  	[sflag:s0] =	ssyncset.done @!p0 $0x0  }
0x42: {  	[sflag:s0] =	ssyncadd.s32 @!p0 $0xFFFFC000  }
0x43: {  	_ =	swait.ge @!p0 [sflag:s0], $0x4000  }
0x44: {  	s29 =	sadd.s32 $0xFFFFFFC0, s11;
	[sflag:s0] =	ssyncset.done @!p0 $0x0  }
0x45: {  	s28 =	simm.s32 @!p0 $0x200;
	s26 =	simm.s32 @!p0 $0x80;
	[sflag:s0] =	ssyncadd.s32 @!p0 $0xFFFFC000  }
0x46: {  	[tilespmem:s28], [sflag:$0x1] =	stream.indirect.gather @!p0 [hbm4b:s1+s26], $0x80, s25, s26, $0xb8;
	[tilespmem:$0x10200] =	vst v63  }
0x47: {  	p1 =	sgt.u32 s29, $0x4E1;
	s0 =	simm.s32 @!p0 $0x8200  }
0x48: {  	[tilespmem:s0], [sflag:$0x1] =	stream.indirect.gather @!p0 [hbm4b:s1+s26], $0x80, s3, s26, $0xb8;
	[tilespmem:$0x10200] =	vst v63  }
0x49: {  	s0 =	simm.s32 @!p1 $0x2  }
0x4a: {  	_ =	swait.ge @!p1 [sflag:s0], $0x4000  }
0x4b: {  	[sflag:s0] =	ssyncset.done @!p1 $0x0  }
0x4c: {  	p2 =	sgt.u32 s11, $0x4E1;
	[sflag:s0] =	ssyncadd.s32 @!p1 $0xFFFFC000  }
0x4d: {  	s31 =	simm.s32 @!p2 $0x80;
	s25 =	sadd.s32 @!p1 s13, s12;
	_ =	swait.ge @!p1 [sflag:s0], $0x4000  }
0x4e: {  	s28 =	simm.s32 @!p1 $0x4200;
	s3 =	sadd.s32 @!p1 s14, s12;
	[sflag:s0] =	ssyncset.done @!p1 $0x0  }
0x4f: {  	s26 =	simm.s32 @!p1 $0x0;
	s3 =	sadd.s32 @!p1 $0x10000, s3;
	[sflag:s0] =	ssyncadd.s32 @!p1 $0xFFFFC000  }
0x50: {  	[hbm4b:s3+s26] =	stream.linear.scatter @!p1 [tilespmem:s28], [sflag:$0x4], $0x4000, $0x38;
	[tilespmem:$0x10200] =	vst v63  }
0x51: {  	s25 =	sadd.s32 @!p1 $0x10000, s25;
	s0 =	simm.s32 @!p1 $0xC200;
	s3 =	sadd.s32 @!p2 $0x0, s10  }
0x52: {  	[hbm4b:s25+s26] =	stream.linear.scatter @!p1 [tilespmem:s0], [sflag:$0x4], $0x4000, $0x38;
	[tilespmem:$0x10200] =	vst v63  }
0x53: {  	s28 =	simm.s32 @!p2 $0x0;
	s0 =	sadd.s32 @!p2 $0x600, s3;
	s3 =	simm.s32 @!p2 $0x5  }
0x54: {  	[tilespmem:s31], [sflag:$0x5] =	stream.linear.gather @!p2 [hbm4b:s0+s28], $0x80, $0x38;
	[tilespmem:$0x10200] =	vst v63  }
0x55: {  	_ =	swait.ge @!p2 [sflag:s3], $0x80  }
0x56: {  	s0 =	sadd.s32 @!p2 $0x0, s9;
	[sflag:s3] =	ssyncset.done @!p2 $0x0  }
0x57: {  	s25 =	sadd.s32 @!p2 $0x600, s0;
	s0 =	simm.s32 @!p2 $0x180;
	[sflag:s3] =	ssyncadd.s32 @!p2 $0xFFFFFF80  }
0x58: {  	[tilespmem:s0], [sflag:$0x5] =	stream.linear.gather @!p2 [hbm4b:s25+s28], $0x80, $0x38;
	[tilespmem:$0x10200] =	vst v63  }
0x59: {  	_ =	swait.ge @!p2 [sflag:s3], $0x80  }
0x5a: {  	[sflag:s3] =	ssyncset.done @!p2 $0x0  }
0x5b: {  	s30 =	simm.s32 @!p1 $0x4;
	[sflag:s3] =	ssyncadd.s32 @!p2 $0xFFFFFF80  }
0x5c: {  	_ =	swait.ge @!p1 [sflag:s30], $0x4000  }
0x5d: {  	[sflag:s30] =	ssyncset.done @!p1 $0x0  }
0x5e: {  	s29 =	sadd.s32 $0x40, s11;
	[sflag:s30] =	ssyncadd.s32 @!p1 $0xFFFFC000  }
0x5f: {  	s26 =	sadd.s32 $0x20000, s13;
	s25 =	simm.s32 $0x400;
	_ =	swait.ge @!p1 [sflag:s30], $0x4000  }
0x60: {  	s28 =	sadd.s32 $0x20000, s14;
	s3 =	simm.s32 @!p2 $0x4200;
	[sflag:s30] =	ssyncset.done @!p1 $0x0  }
.LBB2_2:
0x61: {  	[sflag:s30] =	ssyncadd.s32 @!p1 $0xFFFFC000  }
0x62: {  	s21 =	simm.s32 @!p2 $0xC200;
	s30 =	smov.u32 s25;
	s25 =	sadd.s32 $0x400, s25  }
0x63: {  	[tilespmem:s3], [sflag:$0x2] =	stream.indirect.gather @!p2 [hbm4b:s1+s31], $0x80, s31, s31, $0xb8;
	[tilespmem:$0x10200] =	vst v63  }
0x64: {  	p0 =	sne.s32 s25, $0x5000  }
0x65: {  	[tilespmem:s21], [sflag:$0x2] =	stream.indirect.gather @!p2 [hbm4b:s1+s31], $0x80, s0, s31, $0xb8;
	[tilespmem:$0x10200] =	vst v63  }
0x66: {  	_ =	swait.ge [sflag:s23], $0x4000  }
0x67: {  	[sflag:s23] =	ssyncset.done $0x0  }
0x68: {  	[sflag:s23] =	ssyncadd.s32 $0xFFFFC000  }
0x69: {  	s3 =	sadd.s32 $0xFFFFFFE0, s29;
	s0 =	sadd.s32 s28, s12;
	_ =	swait.ge [sflag:s23], $0x4000  }
0x6a: {  	[sflag:s23] =	ssyncset.done $0x0  }
0x6b: {  	p2 =	sgt.u32 s3, $0x4E1;
	[sflag:s23] =	ssyncadd.s32 $0xFFFFC000  }
0x6c: {  	[hbm4b:s0+s2] =	stream.linear.scatter [tilespmem:s18], [sflag:$0x3], $0x4000, $0x38;
	[tilespmem:$0x10200] =	vst v63  }
0x6d: {  	s3 =	simm.s32 @p2 $0x3;
	s21 =	sadd.s32 @!p2 s30, s10;
	s0 =	sadd.s32 s26, s12  }
0x6e: {  	[hbm4b:s0+s2] =	stream.linear.scatter [tilespmem:s19], [sflag:$0x3], $0x4000, $0x38;
	[tilespmem:$0x10200] =	vst v63  }
0x6f: {  	s0 =	sadd.s32 @!p2 $0x400, s21;
	s21 =	sadd.s32 @!p2 s30, s9;
	_ =	swait.ge @p2 [sflag:s3], $0x4000  }
0x70: {  	s21 =	sadd.s32 @!p2 $0x400, s21;
	[sflag:s3] =	ssyncset.done @p2 $0x0  }
0x71: {  	[sflag:s3] =	ssyncadd.s32 @p2 $0xFFFFC000  }
0x72: {  	s31 =	simm.s32 @!p2 $0x0;
	_ =	swait.ge @p2 [sflag:s3], $0x4000  }
0x73: {  	s22 =	simm.s32 @!p2 $0x5;
	[sflag:s3] =	ssyncset.done @p2 $0x0  }
0x74: {  	[sflag:s3] =	ssyncadd.s32 @p2 $0xFFFFC000  }
0x75: {  	[tilespmem:s31], [sflag:$0x5] =	stream.linear.gather @!p2 [hbm4b:s0+s31], $0x80, $0x38;
	[tilespmem:$0x10200] =	vst v63  }
0x76: {  	s0 =	simm.s32 @!p2 $0x100;
	_ =	swait.ge @!p2 [sflag:s22], $0x80  }
0x77: {  	[sflag:s22] =	ssyncset.done @!p2 $0x0  }
0x78: {  	[sflag:s22] =	ssyncadd.s32 @!p2 $0xFFFFFF80  }
0x79: {  	[tilespmem:s0], [sflag:$0x5] =	stream.linear.gather @!p2 [hbm4b:s21+s31], $0x80, $0x38;
	[tilespmem:$0x10200] =	vst v63  }
0x7a: {  	s3 =	simm.s32 @!p2 $0x3;
	_ =	swait.ge @!p2 [sflag:s22], $0x80  }
0x7b: {  	[sflag:s22] =	ssyncset.done @!p2 $0x0  }
0x7c: {  	[sflag:s22] =	ssyncadd.s32 @!p2 $0xFFFFFF80  }
0x7d: {  	_ =	swait.ge @!p2 [sflag:s3], $0x4000  }
0x7e: {  	[sflag:s3] =	ssyncset.done @!p2 $0x0  }
0x7f: {  	[sflag:s3] =	ssyncadd.s32 @!p2 $0xFFFFC000  }
0x80: {  	s21 =	simm.s32 @!p2 $0x80;
	s22 =	simm.s32 @!p2 $0x200;
	_ =	swait.ge @!p2 [sflag:s3], $0x4000  }
0x81: {  	s5 =	sadd.s32 $0xFFFFFFC0, s29;
	s4 =	simm.s32 @!p2 $0x8200;
	[sflag:s3] =	ssyncset.done @!p2 $0x0  }
0x82: {  	[sflag:s3] =	ssyncadd.s32 @!p2 $0xFFFFC000  }
0x83: {  	[tilespmem:s22], [sflag:$0x1] =	stream.indirect.gather @!p2 [hbm4b:s1+s21], $0x80, s31, s21, $0xb8;
	[tilespmem:$0x10200] =	vst v63  }
0x84: {  	p1 =	sgt.u32 s5, $0x4E1  }
0x85: {  	[tilespmem:s4], [sflag:$0x1] =	stream.indirect.gather @!p2 [hbm4b:s1+s21], $0x80, s0, s21, $0xb8;
	[tilespmem:$0x10200] =	vst v63  }
0x86: {  	s3 =	sadd.s32 @!p1 s28, s12;
	s0 =	simm.s32 @!p1 $0x2;
	s4 =	sadd.s32 @!p1 s26, s12  }
0x87: {  	s3 =	sadd.s32 @!p1 $0x10000, s3;
	s4 =	sadd.s32 @!p1 $0x10000, s4;
	_ =	swait.ge @!p1 [sflag:s0], $0x4000  }
0x88: {  	[sflag:s0] =	ssyncset.done @!p1 $0x0  }
0x89: {  	[sflag:s0] =	ssyncadd.s32 @!p1 $0xFFFFC000  }
0x8a: {  	_ =	swait.ge @!p1 [sflag:s0], $0x4000  }
0x8b: {  	s5 =	simm.s32 @!p1 $0x0;
	s21 =	simm.s32 @!p1 $0x4200;
	[sflag:s0] =	ssyncset.done @!p1 $0x0  }
0x8c: {  	p2 =	sgt.u32 s29, $0x4E1;
	[sflag:s0] =	ssyncadd.s32 @!p1 $0xFFFFC000;
	s0 =	simm.s32 @!p1 $0xC200  }
0x8d: {  	[hbm4b:s3+s5] =	stream.linear.scatter @!p1 [tilespmem:s21], [sflag:$0x4], $0x4000, $0x38;
	[tilespmem:$0x10200] =	vst v63  }
0x8e: {  	s31 =	simm.s32 @!p2 $0x80;
	s3 =	sadd.s32 @!p2 s30, s10;
	s21 =	simm.s32 @!p2 $0x0  }
0x8f: {  	[hbm4b:s4+s5] =	stream.linear.scatter @!p1 [tilespmem:s0], [sflag:$0x4], $0x4000, $0x38;
	[tilespmem:$0x10200] =	vst v63  }
0x90: {  	s0 =	sadd.s32 @!p2 $0x600, s3;
	s3 =	simm.s32 @!p2 $0x5;
	s4 =	sadd.s32 @!p2 s30, s9  }
0x91: {  	[tilespmem:s31], [sflag:$0x5] =	stream.linear.gather @!p2 [hbm4b:s0+s21], $0x80, $0x38;
	[tilespmem:$0x10200] =	vst v63  }
0x92: {  	s4 =	sadd.s32 @!p2 $0x600, s4;
	_ =	swait.ge @!p2 [sflag:s3], $0x80  }
0x93: {  	s0 =	simm.s32 @!p2 $0x180;
	[sflag:s3] =	ssyncset.done @!p2 $0x0  }
0x94: {  	[sflag:s3] =	ssyncadd.s32 @!p2 $0xFFFFFF80  }
0x95: {  	[tilespmem:s0], [sflag:$0x5] =	stream.linear.gather @!p2 [hbm4b:s4+s21], $0x80, $0x38;
	[tilespmem:$0x10200] =	vst v63  }
0x96: {  	_ =	swait.ge @!p2 [sflag:s3], $0x80  }
0x97: {  	s30 =	simm.s32 @!p1 $0x4;
	[sflag:s3] =	ssyncset.done @!p2 $0x0  }
0x98: {  	[sflag:s3] =	ssyncadd.s32 @!p2 $0xFFFFFF80  }
.Ltmp0:
0x99: {  	_ =	swait.ge @!p1 [sflag:s30], $0x4000;
	(pc) =	sbr.rel @p0 .LBB2_2-.Ltmp0, $4  }
0x9a: {  	[sflag:s30] =	ssyncset.done @!p1 $0x0  }
0x9b: {  	[sflag:s30] =	ssyncadd.s32 @!p1 $0xFFFFC000  }
0x9c: {  	s28 =	sadd.s32 $0x20000, s28;
	s26 =	sadd.s32 $0x20000, s26;
	_ =	swait.ge @!p1 [sflag:s30], $0x4000  }
0x9d: {  	s29 =	sadd.s32 $0x40, s29;
	s3 =	simm.s32 @!p2 $0x4200;
	[sflag:s30] =	ssyncset.done @!p1 $0x0  }
0x9e: {  	s24 =	sadd.s32 $0x1, s24  }
0x9f: {  	p0 =	sne.s32 s24, s8  }
.Ltmp1:
0xa0: {  	_ = 	snop;
	(pc) =	sbr.rel @p0 .LBB2_1-.Ltmp1, $4  }
0xa1: {  	[sflag:s30] =	ssyncadd.s32 @!p1 $0xFFFFC000  }
0xa2: {  	[tilespmem:s3], [sflag:$0x2] =	stream.indirect.gather @!p2 [hbm4b:s1+s31], $0x80, s31, s31, $0xb8;
	[tilespmem:$0x10200] =	vst v63  }
0xa3: {  	s3 =	simm.s32 @!p2 $0xC200  }
0xa4: {  	[tilespmem:s3], [sflag:$0x2] =	stream.indirect.gather @!p2 [hbm4b:s1+s31], $0x80, s0, s31, $0xb8;
	[tilespmem:$0x10200] =	vst v63  }
0xa5: {  	_ =	sfence.sel $0x180000  }
0xa6: {  	[bflag:$0x0] =	sbarrier.arrive $0xFFFF  }
0xa7: {  	_ =	strace $0x90000047  }
0xa8: {  	s0 =	stileid.u32;
	[bflag:$0x2] =	sbarrier.arrive $0xFFFF  }
0xa9: {  	p0 =	sne.s32 s0, $0x0;
	s0 =	rddreg [dreg:$0x3]  }
0xaa: {  	s0 =	sadd.s32 @!p0 $0x100000, s0  }
0xab: {  	[sflag:s0] =	ssyncadd.tile.s32 @!p0 $0x1;
	_ =	shalt  }
.Lfunc_end2:
_tile_overlayer_lowered:
.L_overlay_start_2:
0xac: {  	(tag) =	ssettag $0x2  }
0xad: {  	s0 =	rddreg [dreg:$0x0];
	s2 =	stileid.u32  }
0xae: {  	s1 =	rddreg [dreg:$0x1];
	p0 =	sne.s32 s2, $0x0  }
0xaf: {  	s3 =	rddreg [dreg:$0x2];
	[bflag:$0x3] =	sbarrier.arrive $0xFFFF;
	s2 =	simm.s32 @!p0 $0x1C05  }
0xb0: {  	[timem:s3], [sflag:s2] =	dma.local @!p0 [hbm:s0], s1  }
0xb1: {  	s0 =	simm.s32 @!p0 $0x5  }
0xb2: {  	_ =	swait.ge @!p0 [sflag:s0], s1  }
0xb3: {  	s1 =	ssub.s32 @!p0 $0x0, s1;
	[sflag:s0] =	ssyncset.done @!p0 $0x0  }
0xb4: {  	[sflag:s0] =	ssyncadd.s32 @!p0 s1  }
0xb5: {  	[bflag:$0x3] =	sbarrier.arrive $0xFFFF  }
0xb6: {  	_ =	shalt  }

// kernel: kernel.9.cloned.1.call-start
scs
__scs_entry_jumppad:
0x0: {  	(pc) =	sbr.rel $0x88, $3  }
0x1: {  	(tag) =	ssettag $0x0;
	lr =	simm.s32 $0x1  }
0x2: {  	[smem:$0x3F96] =	sst lr;
	_ =	strace $0xD0000000  }
0x3: {  	_ = 	snop  }
0x4: {  	_ = 	snop  }
0x5: {  	_ = 	snop  }
0x6: {  	_ = 	snop  }
0x7: {  	_ = 	snop  }
__scs_overlays_trampoline_lowered:
0x8: {  	[smem:$0x3FA5] =	sst s0  }
0x9: {  	[smem:$0x3FA6] =	sst s1  }
0xa: {  	[smem:$0x3FA7] =	sst s2  }
0xb: {  	[smem:$0x3FA8] =	sst s3  }
0xc: {  	[smem:$0x3FA9] =	sst s4  }
0xd: {  	[smem:$0x3FAA] =	sst s5  }
0xe: {  	[smem:$0x3FAB] =	sst s6  }
0xf: {  	[smem:$0x3FAC] =	sst s7  }
0x10: {  	[smem:$0x3FAD] =	sst s8  }
0x11: {  	[smem:$0x3FAE] =	sst s9;
	s0 =	simm.s32 @!p0 $0x0  }
0x12: {  	s1 =	sld [smem:$0x3F94];
	s0 =	simm.s32 @p0 $0x1  }
0x13: {  	[smem:$0x3FAF] =	sst s0;
	s0 =	simm.s32 @!p1 $0x0  }
0x14: {  	s2 =	sld [smem:$0x3F93];
	s0 =	simm.s32 @p1 $0x1  }
0x15: {  	[smem:$0x3FB0] =	sst s0;
	s0 =	simm.s32 @!p2 $0x0  }
0x16: {  	s3 =	sld [smem:$0x3FDB];
	s0 =	simm.s32 @p2 $0x1  }
0x17: {  	s4 =	simm.s32 $0x1BF5;
	[smem:$0x3FB2] =	sst s0  }
0x18: {  	s0 =	sld [smem:$0x3F95];
	_ =	swait.ge [sflag:s4], $0x0  }
0x19: {  	s7 =	sld [smem:$0x3F96]  }
0x1a: {  	s8 =	sadd.s32 $0xFFFFE003, lr  }
0x1b: {  	s9 =	sadd.s32 $0xFFFFFEF7, lr;
	s5 =	simm.s32 $0xFFFFFFFF;
	p2 =	slt.u32 s8, $0xFFFFF086  }
0x1c: {  	p1 =	slt.u32 s9, $0xF7A;
	s5 =	simm.s32 @!p2 $0x0  }
0x1d: {  	s5 =	simm.s32 @p1 $0x1;
	p0 =	seq.s32 s7, s2  }
0x1e: {  	s7 =	smul.u32 @!p0 $0xF7A, s2;
	p2 =	seq.s32 @!p0 s5, $0x0  }
0x1f: {  	s9 =	smul.u32 $0xF7A, s1;
	s8 =	simm.s32 @!p0 $0x1BF5;
	p2 =	por !p2, p0  }
0x20: {  	[sflag:s8] =	ssyncset.s32 @!p0 $0xFFFFF086;
	s6 =	sadd.s32 @!p0 s3, s7;
	s7 =	simm.s32 @!p0 $0x108  }
0x21: {  	s3 =	sadd.s32 s3, s9;
	s6 =	sadd.s32 @!p0 $0x88, s6;
	s7 =	simm.s32 @p2 $0x1082  }
0x22: {  	[simem:s7], [sflag:s8] =	dma.local @!p0 [hbm:s6], $0xF7A  }
0x23: {  	s9 =	sor.u32 $0xD0000000, s2;
	s6 =	simm.s32 $0x108;
	_ =	swait.ge @!p0 [sflag:s8], $0x0  }
0x24: {  	s3 =	sadd.s32 $0x88, s3;
	s6 =	simm.s32 @!p1 $0x1082;
	[sflag:s4] =	ssyncset.s32 $0xFFFFF086  }
0x25: {  	[simem:s6], [sflag:s4] =	dma.local [hbm:s3], $0xF7A  }
0x26: {  	[smem:$0x3F96] =	sst s1;
	(tag) =	ssettag s2;
	_ =	strace s9  }
0x27: {  	s1 =	sld [smem:$0x3FA6]  }
0x28: {  	s2 =	sld [smem:$0x3FA7]  }
0x29: {  	s4 =	sld [smem:$0x3FA9]  }
0x2a: {  	p0 =	seq.s32 s5, $0x0;
	s5 =	sld [smem:$0x3FAA]  }
0x2b: {  	s6 =	sld [smem:$0x3FAB]  }
0x2c: {  	s7 =	sld [smem:$0x3FAC]  }
0x2d: {  	s3 =	simm.s32 $0x108;
	s8 =	sld [smem:$0x3FAD]  }
0x2e: {  	s3 =	simm.s32 @!p0 $0x1082;
	s9 =	sld [smem:$0x3FAE]  }
0x2f: {  	lr =	sadd.s32 s0, s3;
	s0 =	sld [smem:$0x3FA5]  }
0x30: {  	s3 =	sld [smem:$0x3FA8]  }
0x31: {  	[smem:$0x3FB1] =	sst s10  }
0x32: {  	s10 =	sld [smem:$0x3FAF];
	_ =	sdelay $0x3  }
0x33: {  	p0 =	seq.s32 s10, $0x1;
	s10 =	sld [smem:$0x3FB1];
	_ =	sdelay $0x3  }
0x34: {  	[smem:$0x3FB1] =	sst s10  }
0x35: {  	s10 =	sld [smem:$0x3FB0];
	_ =	sdelay $0x3  }
0x36: {  	p1 =	seq.s32 s10, $0x1;
	s10 =	sld [smem:$0x3FB1];
	_ =	sdelay $0x3  }
0x37: {  	[smem:$0x3FB1] =	sst s10  }
0x38: {  	s10 =	sld [smem:$0x3FB2]  }
0x39: {  	_ = 	snop;
	(pc) =	sbr.ind lr, $3  }
0x3a: {  	_ = 	snop  }
0x3b: {  	_ = 	snop  }
0x3c: {  	p2 =	seq.s32 s10, $0x1;
	s10 =	sld [smem:$0x3FB1]  }
0x3d: {  	_ =	shalt  }
0x3e: {  	_ =	shalt  }
0x3f: {  	_ =	shalt  }
0x40: {  	_ =	shalt  }
0x41: {  	_ =	shalt  }
0x42: {  	_ =	shalt  }
0x43: {  	_ =	shalt  }
0x44: {  	_ =	shalt  }
0x45: {  	_ =	shalt  }
0x46: {  	_ =	shalt  }
0x47: {  	_ =	shalt  }
0x48: {  	_ =	shalt  }
0x49: {  	_ =	shalt  }
0x4a: {  	_ =	shalt  }
0x4b: {  	_ =	shalt  }
0x4c: {  	_ =	shalt  }
0x4d: {  	_ =	shalt  }
0x4e: {  	_ =	shalt  }
0x4f: {  	_ =	shalt  }
0x50: {  	_ =	shalt  }
0x51: {  	_ =	shalt  }
0x52: {  	_ =	shalt  }
0x53: {  	_ =	shalt  }
0x54: {  	_ =	shalt  }
0x55: {  	_ =	shalt  }
0x56: {  	_ =	shalt  }
0x57: {  	_ =	shalt  }
0x58: {  	_ =	shalt  }
0x59: {  	_ =	shalt  }
0x5a: {  	_ =	shalt  }
0x5b: {  	_ =	shalt  }
0x5c: {  	_ =	shalt  }
0x5d: {  	_ =	shalt  }
0x5e: {  	_ =	shalt  }
0x5f: {  	_ =	shalt  }
0x60: {  	_ =	shalt  }
0x61: {  	_ =	shalt  }
0x62: {  	_ =	shalt  }
0x63: {  	_ =	shalt  }
0x64: {  	_ =	shalt  }
0x65: {  	_ =	shalt  }
0x66: {  	_ =	shalt  }
0x67: {  	_ =	shalt  }
0x68: {  	_ =	shalt  }
0x69: {  	_ =	shalt  }
0x6a: {  	_ =	shalt  }
0x6b: {  	_ =	shalt  }
0x6c: {  	_ =	shalt  }
0x6d: {  	_ =	shalt  }
0x6e: {  	_ =	shalt  }
0x6f: {  	_ =	shalt  }
0x70: {  	_ =	shalt  }
0x71: {  	_ =	shalt  }
0x72: {  	_ =	shalt  }
0x73: {  	_ =	shalt  }
0x74: {  	_ =	shalt  }
0x75: {  	_ =	shalt  }
0x76: {  	_ =	shalt  }
0x77: {  	_ =	shalt  }
0x78: {  	_ =	shalt  }
0x79: {  	_ =	shalt  }
0x7a: {  	_ =	shalt  }
0x7b: {  	_ =	shalt  }
0x7c: {  	_ =	shalt  }
0x7d: {  	_ =	shalt  }
0x7e: {  	_ =	shalt  }
0x7f: {  	_ =	shalt  }
0x80: {  	_ =	shalt  }
0x81: {  	_ =	shalt  }
0x82: {  	_ =	shalt  }
0x83: {  	_ =	shalt  }
0x84: {  	_ =	shalt  }
0x85: {  	_ =	shalt  }
0x86: {  	_ =	shalt  }
0x87: {  	_ =	shalt  }
.Lfunc_end0:
.L_simem_size_0:
called_computation.1_lowered:
.L_overlay_start_0:
0x88: {  	s2 =	sld [smem:$0x3FD9]  }
0x89: {  	s3 =	sld [smem:$0x3FFE];
	_ =	sdelay $0x1  }
0x8a: {  	s1 =	srdreg.scid  }
0x8b: {  	s0 =	sand.u32 $0x1, s1  }
0x8c: {  	s14 =	sshll.u32 s0, $0xA;
	s2 =	sadd.s32 s3, s2  }
0x8d: {  	s2 =	sadd.s32 s2, s14  }
0x8e: {  	[smem:$0x3FBD] =	sst s2  }
0x8f: {  	_ = 	snop  }
0x90: {  	s2 =	sld [smem:$0x3FD0];
	_ =	sdelay $0x2  }
0x91: {  	s15 =	simm.s32 $0xA;
	s4 =	simm.s32 $0x10  }
0x92: {  	[smem:s4], [sflag:s15] =	dma.local [hbm:s2], $0x1  }
0x93: {  	_ =	swait.eq [sflag:s15], $0x1  }
0x94: {  	[sflag:s15] =	ssyncset.done $0x0  }
0x95: {  	[sflag:s15] =	ssyncadd.s32 $0xFFFFFFFF  }
0x96: {  	s16 =	sld [smem:$0x10];
	(tm) =	ssettm $0x1  }
0x97: {  	s17 =	sld [smem:$0x3FFB];
	_ =	sdelay $0x3  }
0x98: {  	_ =	strace s17  }
0x99: {  	s3 =	sld [smem:$0x3FFC];
	_ =	sdelay $0x3  }
0x9a: {  	_ =	strace s3  }
0x9b: {  	s3 =	sld [smem:$0x3FFD];
	_ =	sdelay $0x3  }
0x9c: {  	_ =	strace s3  }
0x9d: {  	_ =	strace $0x8FFFFFFF  }
0x9e: {  	s18 =	sld [smem:$0x3FDB];
	_ =	sdelay $0x1  }
0x9f: {  	s19 =	simm.s32 $_scs_section_size  }
0xa0: {  	s5 =	simm.s32 $_size__tile_overlayer_lowered;
	s6 =	simm.s32 $_tile_overlayer_lowered  }
0xa1: {  	s22 =	simm.s32 $0x1BFF;
	s21 =	sshll.u32 s6, $0x1;
	s3 =	sadd.s32 s19, s18  }
0xa2: {  	s7 =	simm.s32 $0x0;
	s20 =	sshll.u32 s5, $0x1;
	s5 =	sadd.s32 s21, s3  }
0xa3: {  	[timem:s7], [sflag:s22] =	dma.local [hbm:s5], s20  }
0xa4: {  	_ =	swait.ge [sflag:s22], s20  }
0xa5: {  	s4 =	ssub.s32 $0x0, s20;
	[sflag:s22] =	ssyncset.done $0x0  }
0xa6: {  	[sflag:s22] =	ssyncadd.s32 s4;
	_ =	sdelay $0x1  }
0xa7: {  	s23 =	simm.s32 $0x1B8B  }
0xa8: {  	_ =	swait.ge [sflag:s23], $0x1  }
0xa9: {  	[sflag:s23] =	ssyncset.done $0x0  }
0xaa: {  	s25 =	simm.s32 $0x1B8E;
	s24 =	sld [smem:$0x3FFE];
	[sflag:s23] =	ssyncadd.s32 $0xFFFFFFFF  }
0xab: {  	s26 =	simm.s32 $execute0_lowered;
	[smem:$0x3FD2] =	sst s25  }
0xac: {  	s5 =	sshll.u32 s26, $0x1;
	_ =	strace $0x80000049;
	[dreg:$0x1] =	wrdreg $0xFFFFFFFF  }
0xad: {  	s28 =	simm.s32 $_size_execute0_lowered;
	s3 =	sadd.s32 s3, s5;
	[dreg:$0x0] =	wrdreg $0x0  }
0xae: {  	s5 =	sshll.u32 s28, $0x1;
	[dreg:$0x2] =	wrdreg s3  }
0xaf: {  	[dreg:$0x3] =	wrdreg s5  }
0xb0: {  	[dreg:$0x4] =	wrdreg $0xC0  }
0xb1: {  	_ =	task [dreg:s7], $0x5FFFF  }
0xb2: {  	[dreg:$0x1] =	wrdreg $0xFFFFFFFF  }
0xb3: {  	[dreg:$0x0] =	wrdreg $0x60  }
0xb4: {  	[dreg:$0x2] =	wrdreg s24  }
0xb5: {  	[dreg:$0x3] =	wrdreg s16  }
0xb6: {  	[dreg:$0x4] =	wrdreg $0x81000  }
0xb7: {  	[dreg:$0x5] =	wrdreg $0x9  }
0xb8: {  	_ =	task.clear_ibuf [dreg:s7], $0x6FFFF;
	_ =	strace $0x90000049  }
0xb9: {  	s29 =	simm.s32 $0x9;
	_ =	strace $0x8000004B  }
0xba: {  	_ =	swait.ge [sflag:s29], $0x1  }
0xbb: {  	[sflag:s29] =	ssyncadd.s32 $0xFFFFFFFF  }
0xbc: {  	_ =	strace $0x9000004B  }
0xbd: {  	_ =	sfence  }
0xbe: {  	s30 =	sld [smem:$0x0];
	_ =	sdelay $0x2  }
0xbf: {  	s31 =	sshll.u32 s1, $0xD;
	s1 =	sshrl.u32 s1, $0x2  }
0xc0: {  	s3 =	sand.u32 $0x4000, s31;
	s1 =	sadd.s32 s1, s30  }
0xc1: {  	s0 =	sor.u32 s3, s0;
	s1 =	sshll.u32 s1, $0x11  }
0xc2: {  	s0 =	sor.u32 s1, s0  }
0xc3: {  	s0 =	sadd.s32 $0x8F2B, s0  }
0xc4: {  	[sflag:s0] =	ssyncadd.remote.s32 $0x1  }
0xc5: {  	_ =	sfence.sel $0xFFFF  }
0xc6: {  	[dreg:$0x0] =	wrdreg $0xFFFFFFFF;
	(pc) =	sbr.abs _section_cstart, $3  }
0xc7: {  	[dreg:$0x1] =	wrdreg $0xFFFFFFFF  }
0xc8: {  	_ =	task.clear_ibuf [dreg:s7], $0x2FFFF;
	_ =	strace $0x9FFFFFFF  }
0xc9: {  	(tm) =	ssettm $0x7FFFFFFF  }
tec
execute0_lowered:
.L_overlay_start_1:
0x0: {  	(tag) =	ssettag $0x1  }
0x1: {  	s0 =	rddreg [dreg:$0x0]  }
0x2: {  	s2 =	rddreg [dreg:$0x2];
	s3 =	simm.s32 $0x0;
	s1 =	srdreg.scid  }
0x3: {  	s15 =	stileid.u32;
	s19 =	simm.s32 $0x80;
	s20 =	simm.s32 $0x4100  }
0x4: {  	s21 =	simm.s32 $0x1;
	[smem:$0x7FF] =	sst s3;
	s1 =	sand.u32 $0x1, s1  }
0x5: {  	s12 =	sadd.s32 $0x2600, s0;
	s13 =	sadd.s32 $0x75A600, s0;
	s6 =	smul.u32 $0x4E000, s15  }
0x6: {  	s0 =	sadd.s32 $0x7600, s0;
	s24 =	sshll.u32 s15, $0x6;
	s17 =	sadd.s32 $0x138000, s2  }
0x7: {  	s10 =	smul.u32 $0x13800, s15;
	s29 =	sshll.u32 s15, $0x4;
	s30 =	sshll.u32 s15, $0xB  }
0x8: {  	p0 =	sne.s32 s15, $0x0;
	_ =	strace $0x8000004A;
	s4 =	ssub.s32 $0x2, s1  }
0x9: {  	s22 =	sshll.u32 s1, $0x4;
	s9 =	smul.u32 $0x138800, s1;
	s28 =	sshll.u32 s1, $0x8  }
0xa: {  	s1 =	sshll.u32 s1, $0xF;
	s17 =	sshrl.u32 @!p0 s17, $0x3;
	s5 =	sshrl.u32 s4, $0x1  }
0xb: {  	s14 =	sor.u32 s15, s22;
	s23 =	sshrl.u32 s6, $0x2;
	s1 =	sadd.s32 s1, s13  }
0xc: {  	s22 =	simm.s32 $0x3;
	s11 =	ssub.s32 s4, s5;
	s16 =	sadd.s32 s23, s2  }
0xd: {  	s4 =	sor.u32 $0x1C05, s24;
	s25 =	sshll.u32 s14, $0x4;
	s8 =	sor.u32 $0x20, s14  }
0xe: {  	s26 =	sshll.u32 s14, $0xB;
	s10 =	sadd.s32 s10, s9;
	s9 =	sshrl.u32 s9, $0x3  }
0xf: {  	s31 =	sadd.s32 s30, s1;
	s23 =	simm.s32 $0x2;
	s24 =	simm.s32 $0x4  }
0x10: {  	s7 =	sshll.u32 s8, $0x4;
	s5 =	sadd.s32 s12, s25;
	s6 =	sadd.s32 s13, s26  }
0x11: {  	s8 =	sshll.u32 s8, $0xB;
	s10 =	sshrl.u32 s10, $0x3;
	s18 =	sadd.s32 s0, s9  }
0x12: {  	s11 =	smax.u32 s11, $0x1;
	s25 =	sor.u32 $0x4C0, s14;
	s14 =	sor.u32 $0x60, s14  }
0x13: {  	s15 =	sshrl.u32 s16, $0x3;
	s16 =	simm.s32 $0x5;
	s7 =	sadd.s32 s12, s7  }
0x14: {  	s8 =	sadd.s32 s13, s8;
	s9 =	sadd.s32 s0, s10;
	s10 =	sadd.s32 $0x27000, s18  }
0x15: {  	s0 =	sadd.s32 s28, s12;
	s13 =	sadd.s32 $0x30000, s31;
	s18 =	simm.s32 $0x100  }
0x16: {  	p1 =	sgt.u32 s25, $0x4C1;
	s25 =	simm.s32 $0x0;
	s12 =	sadd.s32 s29, s0  }
.LBB2_1:
0x17: {  	s0 =	rddreg [dreg:$0x1]  }
0x18: {  	[spmem:s15], [sflag:s4] =	dma.local [hbm:s0], $0x2700  }
0x19: {  	_ =	swait.ge [sflag:s16], $0x2700  }
0x1a: {  	[sflag:s16] =	ssyncset.done $0x0  }
0x1b: {  	[sflag:s16] =	ssyncadd.s32 $0xFFFFD900  }
0x1c: {  	[spmem:s17], [sflag:s4] =	dma.local @!p0 [hbm:s0], $0x100  }
0x1d: {  	s0 =	simm.s32 @!p0 $0x5  }
0x1e: {  	_ =	swait.ge @!p0 [sflag:s0], $0x100  }
0x1f: {  	[sflag:s0] =	ssyncset.done @!p0 $0x0  }
0x20: {  	[sflag:s0] =	ssyncadd.s32 @!p0 $0xFFFFFF00  }
0x21: {  	[bflag:$0x0] =	sbarrier.arrive $0xFFFF  }
0x22: {  	[tilespmem:s3], [sflag:$0x5] =	stream.linear.gather [hbm4b:s5+s3], $0x80, $0x38;
	[tilespmem:$0x1B980] =	vst v63  }
0x23: {  	_ =	swait.ge [sflag:s16], $0x80  }
0x24: {  	[sflag:s16] =	ssyncset.done $0x0  }
0x25: {  	[sflag:s16] =	ssyncadd.s32 $0xFFFFFF80  }
0x26: {  	[tilespmem:s18], [sflag:$0x1] =	stream.linear.gather [hbm4b:s6+s3], $0x4000, $0x38;
	[tilespmem:$0x1B980] =	vst v63  }
0x27: {  	_ = 	snop  }
0x28: {  	[tilespmem:s19], [sflag:$0x5] =	stream.linear.gather [hbm4b:s7+s3], $0x80, $0x38;
	[tilespmem:$0x1B980] =	vst v63  }
0x29: {  	_ =	swait.ge [sflag:s16], $0x80  }
0x2a: {  	[sflag:s16] =	ssyncset.done $0x0  }
0x2b: {  	[sflag:s16] =	ssyncadd.s32 $0xFFFFFF80  }
0x2c: {  	[tilespmem:s20], [sflag:$0x2] =	stream.linear.gather [hbm4b:s8+s3], $0x4000, $0x38;
	[tilespmem:$0x1B980] =	vst v63  }
0x2d: {  	_ =	swait.ge [sflag:s21], $0x4000  }
0x2e: {  	[sflag:s21] =	ssyncset.done $0x0  }
0x2f: {  	[sflag:s21] =	ssyncadd.s32 $0xFFFFC000  }
0x30: {  	[spmem:s2] =	stream.indirect.scatter.add.f32 [tilespmem:s18], [sflag:$0x3], $0x80, s3, s19, $0xb8;
	[tilespmem:$0x1B980] =	vst v63  }
0x31: {  	_ =	swait.ge [sflag:s22], $0x4000  }
0x32: {  	s1 =	sadd.s32 $0x0, s12;
	[sflag:s22] =	ssyncset.done $0x0  }
0x33: {  	s0 =	sadd.s32 $0x400, s1;
	[sflag:s22] =	ssyncadd.s32 $0xFFFFC000  }
0x34: {  	[tilespmem:s3], [sflag:$0x5] =	stream.linear.gather [hbm4b:s0+s3], $0x80, $0x38;
	[tilespmem:$0x1B980] =	vst v63  }
0x35: {  	_ =	swait.ge [sflag:s16], $0x80  }
0x36: {  	[sflag:s16] =	ssyncset.done $0x0  }
0x37: {  	s26 =	sadd.s32 $0xFFFF0000, s13;
	[sflag:s16] =	ssyncadd.s32 $0xFFFFFF80  }
0x38: {  	[tilespmem:s18], [sflag:$0x1] =	stream.linear.gather [hbm4b:s26+s3], $0x4000, $0x38;
	[tilespmem:$0x1B980] =	vst v63  }
0x39: {  	_ =	swait.ge [sflag:s23], $0x4000  }
0x3a: {  	[sflag:s23] =	ssyncset.done $0x0  }
0x3b: {  	[sflag:s23] =	ssyncadd.s32 $0xFFFFC000  }
0x3c: {  	[spmem:s2] =	stream.indirect.scatter.add.f32 [tilespmem:s20], [sflag:$0x4], $0x80, s19, s19, $0xb8;
	[tilespmem:$0x1B980] =	vst v63  }
0x3d: {  	p3 =	sgt.u32 s14, $0x4E1;
	_ =	swait.ge [sflag:s24], $0x4000  }
0x3e: {  	s31 =	simm.s32 @!p3 $0x0;
	s0 =	sadd.s32 @!p3 $0x0, s12;
	[sflag:s24] =	ssyncset.done $0x0  }
0x3f: {  	s1 =	simm.s32 @!p3 $0x80;
	s0 =	sadd.s32 @!p3 $0x600, s0;
	[sflag:s24] =	ssyncadd.s32 $0xFFFFC000  }
0x40: {  	[tilespmem:s1], [sflag:$0x5] =	stream.linear.gather @!p3 [hbm4b:s0+s31], $0x80, $0x38;
	[tilespmem:$0x1B980] =	vst v63  }
0x41: {  	s28 =	sadd.s32 $0x40, s14;
	s0 =	simm.s32 @!p3 $0x5  }
0x42: {  	s29 =	smov.u32 s13;
	s30 =	smov.u32 s13;
	_ =	swait.ge @!p3 [sflag:s0], $0x80  }
0x43: {  	s26 =	simm.s32 $0x400;
	s1 =	simm.s32 @!p3 $0x4100;
	[sflag:s0] =	ssyncset.done @!p3 $0x0  }
.LBB2_2:
0x44: {  	[sflag:s0] =	ssyncadd.s32 @!p3 $0xFFFFFF80  }
0x45: {  	s29 =	sadd.s32 $0x20000, s29;
	s0 =	smov.u32 s26;
	s26 =	sadd.s32 $0x400, s26  }
0x46: {  	[tilespmem:s1], [sflag:$0x2] =	stream.linear.gather @!p3 [hbm4b:s30+s31], $0x4000, $0x38;
	[tilespmem:$0x1B980] =	vst v63  }
0x47: {  	p2 =	sne.s32 s26, $0x4C00;
	s30 =	smov.u32 s29;
	_ =	swait.ge [sflag:s21], $0x4000  }
0x48: {  	[sflag:s21] =	ssyncset.done $0x0  }
0x49: {  	[sflag:s21] =	ssyncadd.s32 $0xFFFFC000  }
0x4a: {  	[spmem:s2] =	stream.indirect.scatter.add.f32 [tilespmem:s18], [sflag:$0x3], $0x80, s3, s19, $0xb8;
	[tilespmem:$0x1B980] =	vst v63  }
0x4b: {  	_ =	swait.ge [sflag:s22], $0x4000  }
0x4c: {  	s1 =	sadd.s32 s0, s12;
	[sflag:s22] =	ssyncset.done $0x0  }
0x4d: {  	s1 =	sadd.s32 $0x400, s1;
	[sflag:s22] =	ssyncadd.s32 $0xFFFFC000  }
0x4e: {  	[tilespmem:s3], [sflag:$0x5] =	stream.linear.gather [hbm4b:s1+s3], $0x80, $0x38;
	[tilespmem:$0x1B980] =	vst v63  }
0x4f: {  	_ =	swait.ge [sflag:s16], $0x80  }
0x50: {  	[sflag:s16] =	ssyncset.done $0x0  }
0x51: {  	s1 =	sadd.s32 $0xFFFF0000, s29;
	[sflag:s16] =	ssyncadd.s32 $0xFFFFFF80  }
0x52: {  	[tilespmem:s18], [sflag:$0x1] =	stream.linear.gather [hbm4b:s1+s3], $0x4000, $0x38;
	[tilespmem:$0x1B980] =	vst v63  }
0x53: {  	_ =	swait.ge [sflag:s23], $0x4000  }
0x54: {  	[sflag:s23] =	ssyncset.done $0x0  }
0x55: {  	p3 =	sgt.u32 s28, $0x4E1;
	[sflag:s23] =	ssyncadd.s32 $0xFFFFC000  }
0x56: {  	[spmem:s2] =	stream.indirect.scatter.add.f32 [tilespmem:s20], [sflag:$0x4], $0x80, s19, s19, $0xb8;
	[tilespmem:$0x1B980] =	vst v63  }
0x57: {  	s0 =	sadd.s32 @!p3 s0, s12;
	_ =	swait.ge [sflag:s24], $0x4000  }
0x58: {  	s31 =	simm.s32 @!p3 $0x0;
	s0 =	sadd.s32 @!p3 $0x600, s0;
	[sflag:s24] =	ssyncset.done $0x0  }
.Ltmp0:
0x59: {  	s1 =	simm.s32 @!p3 $0x80;
	[sflag:s24] =	ssyncadd.s32 $0xFFFFC000;
	(pc) =	sbr.rel @p2 .LBB2_2-.Ltmp0, $4  }
0x5a: {  	[tilespmem:s1], [sflag:$0x5] =	stream.linear.gather @!p3 [hbm4b:s0+s31], $0x80, $0x38;
	[tilespmem:$0x1B980] =	vst v63  }
0x5b: {  	s0 =	simm.s32 @!p3 $0x5  }
0x5c: {  	_ =	swait.ge @!p3 [sflag:s0], $0x80  }
0x5d: {  	s28 =	sadd.s32 $0x40, s28;
	s1 =	simm.s32 @!p3 $0x4100;
	[sflag:s0] =	ssyncset.done @!p3 $0x0  }
0x5e: {  	[sflag:s0] =	ssyncadd.s32 @!p3 $0xFFFFFF80  }
0x5f: {  	[tilespmem:s1], [sflag:$0x2] =	stream.linear.gather @!p3 [hbm4b:s30+s31], $0x4000, $0x38;
	[tilespmem:$0x1B980] =	vst v63  }
0x60: {  	_ =	swait.ge [sflag:s21], $0x4000  }
0x61: {  	[sflag:s21] =	ssyncset.done $0x0  }
0x62: {  	[sflag:s21] =	ssyncadd.s32 $0xFFFFC000  }
0x63: {  	[spmem:s2] =	stream.indirect.scatter.add.f32 [tilespmem:s18], [sflag:$0x3], $0x80, s3, s19, $0xb8;
	[tilespmem:$0x1B980] =	vst v63  }
0x64: {  	_ =	swait.ge [sflag:s22], $0x4000  }
0x65: {  	[sflag:s22] =	ssyncset.done $0x0  }
0x66: {  	s0 =	simm.s32 @!p1 $0x2;
	[sflag:s22] =	ssyncadd.s32 $0xFFFFC000  }
0x67: {  	_ =	swait.ge @!p1 [sflag:s0], $0x4000  }
0x68: {  	[sflag:s0] =	ssyncset.done @!p1 $0x0  }
0x69: {  	s1 =	simm.s32 @!p1 $0x4100;
	[sflag:s0] =	ssyncadd.s32 @!p1 $0xFFFFC000;
	s0 =	simm.s32 @!p1 $0x80  }
0x6a: {  	[spmem:s2] =	stream.indirect.scatter.add.f32 @!p1 [tilespmem:s1], [sflag:$0x4], $0x80, s0, s0, $0xb8;
	[tilespmem:$0x1B980] =	vst v63  }
0x6b: {  	s0 =	simm.s32 @!p1 $0x4  }
0x6c: {  	_ =	swait.ge @!p1 [sflag:s0], $0x4000  }
0x6d: {  	[sflag:s0] =	ssyncset.done @!p1 $0x0  }
0x6e: {  	[sflag:s0] =	ssyncadd.s32 @!p1 $0xFFFFC000  }
0x6f: {  	[bflag:$0x0] =	sbarrier.arrive $0xFFFF  }
0x70: {  	[hbm:s9], [sflag:s4] =	dma.local [spmem:s15], $0x2700  }
0x71: {  	s25 =	sadd.s32 $0x1, s25;
	_ =	swait.ge [sflag:s16], $0x2700  }
0x72: {  	p2 =	sne.s32 s25, s11;
	[sflag:s16] =	ssyncset.done $0x0  }
.Ltmp1:
0x73: {  	s0 =	simm.s32 @!p0 $0x5;
	[sflag:s16] =	ssyncadd.s32 $0xFFFFD900;
	(pc) =	sbr.rel @p2 .LBB2_1-.Ltmp1, $4  }
0x74: {  	[hbm:s10], [sflag:s4] =	dma.local @!p0 [spmem:s17], $0x100  }
0x75: {  	_ =	swait.ge @!p0 [sflag:s0], $0x100  }
0x76: {  	[sflag:s0] =	ssyncset.done @!p0 $0x0  }
0x77: {  	[sflag:s0] =	ssyncadd.s32 @!p0 $0xFFFFFF00  }
0x78: {  	_ =	sfence.sel $0x180000  }
0x79: {  	[bflag:$0x0] =	sbarrier.arrive $0xFFFF  }
0x7a: {  	_ =	strace $0x9000004A  }
0x7b: {  	[bflag:$0x2] =	sbarrier.arrive $0xFFFF  }
0x7c: {  	s0 =	rddreg [dreg:$0x3]  }
0x7d: {  	s0 =	sadd.s32 @!p0 $0x100000, s0  }
0x7e: {  	[sflag:s0] =	ssyncadd.tile.s32 @!p0 $0x1;
	_ =	shalt  }
.Lfunc_end2:
_tile_overlayer_lowered:
.L_overlay_start_2:
0x7f: {  	(tag) =	ssettag $0x2  }
0x80: {  	s0 =	rddreg [dreg:$0x0];
	s2 =	stileid.u32  }
0x81: {  	s1 =	rddreg [dreg:$0x1];
	p0 =	sne.s32 s2, $0x0  }
0x82: {  	s3 =	rddreg [dreg:$0x2];
	[bflag:$0x3] =	sbarrier.arrive $0xFFFF;
	s2 =	simm.s32 @!p0 $0x1C05  }
0x83: {  	[timem:s3], [sflag:s2] =	dma.local @!p0 [hbm:s0], s1  }
0x84: {  	s0 =	simm.s32 @!p0 $0x5  }
0x85: {  	_ =	swait.ge @!p0 [sflag:s0], s1  }
0x86: {  	s1 =	ssub.s32 @!p0 $0x0, s1;
	[sflag:s0] =	ssyncset.done @!p0 $0x0  }
0x87: {  	[sflag:s0] =	ssyncadd.s32 @!p0 s1  }
0x88: {  	[bflag:$0x3] =	sbarrier.arrive $0xFFFF  }
0x89: {  	_ =	shalt  }

</sc_bundles>
